<compile_context>
chip_gen: v7x
topology: tpu7x:2x2x1
jax: 0.10.2.dev20260603
libtpu: 0.0.44.dev20260713+nightly
codegen_flags: <defaults>
</compile_context>

<pallas_src>
import functools

import jax
import jax.numpy as jnp
from jax import lax
from jax.experimental import pallas as pl
from jax.experimental.pallas import tpu as pltpu
from jax.experimental.pallas import tpu_sc as plsc

CUTOFF = 5.0


def _mlp_body(a_ref, w1_ref, b1_ref, w2_ref, b2_ref, out_ref):
    a = a_ref[...]
    h = lax.dot_general(a, w1_ref[...], (((1,), (1,)), ((), ())),
                        preferred_element_type=jnp.float32) + b1_ref[...]
    h = h * jax.nn.sigmoid(h)
    out_ref[...] = lax.dot_general(h, w2_ref[...], (((1,), (1,)), ((), ())),
                                   preferred_element_type=jnp.float32) + b2_ref[...]


def _mlp(a2, W1, b1, W2, b2):
    M, F = a2.shape
    return pl.pallas_call(
        _mlp_body,
        out_shape=jax.ShapeDtypeStruct((M, F), jnp.float32),
    )(a2, W1, b1.reshape(1, F), W2, b2.reshape(1, F))


def _make_gather(h, CB, A, NN, F):
    info = plsc.get_sparse_core_info()
    NC, NS = info.num_cores, info.num_subcores
    NW = NC * NS
    Eb = CB * A * NN
    per_w = Eb // NW
    CH = 128
    n_chunks = per_w // CH
    w_per_b = NW // CB
    gbase0 = h * Eb
    L = 16

    mesh = plsc.VectorSubcoreMesh(core_axis_name="c", subcore_axis_name="s")

    @functools.partial(
        pl.kernel,
        mesh=mesh,
        out_type=jax.ShapeDtypeStruct((Eb, F), jnp.float32),
        scratch_types=[
            pltpu.VMEM((CH,), jnp.int32),
            pltpu.VMEM((CH,), jnp.int32),
            pltpu.VMEM((CH, F), jnp.float32),
            pltpu.VMEM((CH, F), jnp.float32),
            pltpu.SemaphoreType.DMA,
            pltpu.SemaphoreType.DMA,
        ],
    )
    def gather_k(table_hbm, idx_hbm, out_hbm,
                 idx_v0, idx_v1, rows_v0, rows_v1, sem0, sem1):
        wid = lax.axis_index("s") * NC + lax.axis_index("c")
        base = wid * per_w
        b_add = (h * CB + wid // w_per_b) * A

        idx_bufs = (idx_v0, idx_v1)
        row_bufs = (rows_v0, rows_v1)
        sems = (sem0, sem1)

        def load_and_fire(ci, slot):
            cbase = base + ci * CH
            idx_v, rows_v, sem = idx_bufs[slot], row_bufs[slot], sems[slot]
            pltpu.sync_copy(idx_hbm.at[pl.ds(gbase0 + cbase, CH)], idx_v)
            for m in range(CH // L):
                sl = pl.ds(m * L, L)
                idx_v[sl] = idx_v[sl] + b_add
            pltpu.async_copy(table_hbm.at[idx_v], rows_v, sem)

        def drain(ci, slot):
            cbase = base + ci * CH
            rows_v, sem = row_bufs[slot], sems[slot]
            pltpu.make_async_copy(table_hbm.at[idx_bufs[slot]], rows_v, sem).wait()
            pltpu.sync_copy(rows_v, out_hbm.at[pl.ds(cbase, CH)])

        load_and_fire(0, 0)

        def body(ci, _):
            slot = lax.rem(ci, 2)

            @pl.when(ci + 1 < n_chunks)
            def _():
                lax.switch(1 - slot, [lambda: load_and_fire(ci + 1, 0),
                                      lambda: load_and_fire(ci + 1, 1)])

            lax.switch(slot, [lambda: drain(ci, 0), lambda: drain(ci, 1)])
            return 0

        lax.fori_loop(0, n_chunks, body, 0)

    return gather_k


def _fuse_body(p_ref, aj_ref, rbf_ref, d_ref, nm_ref, a_ref, am_ref,
               wr_ref, br_ref, *rest, RB, NN, F, R):
    aout_ref, pout_ref, rbfm_s = rest[-3], rest[-2], rest[-1]

    rblk = rbf_ref[0].reshape(NN * R, RB)
    rt = jnp.swapaxes(rblk, 0, 1)
    w = wr_ref[...]
    br = br_ref[...]
    for j in range(NN):
        rbfm_s[:, j, :] = lax.dot_general(
            rt[:, j * R:(j + 1) * R], w, (((1,), (0,)), ((), ())),
            preferred_element_type=jnp.float32) + br
    rbfm = rbfm_s[...].reshape(RB * NN, F)
    d = d_ref[0]
    x = d * (1.0 / CUTOFF)
    x2 = x * x
    x4 = x2 * x2
    x9 = x4 * x4 * x
    f = 1.0 + x9 * (-55.0 + x * (99.0 - 45.0 * x))
    cut = jnp.where(d < CUTOFF, f, 0.0)
    scale = jnp.swapaxes(cut * nm_ref[0], 0, 1)

    rep = jnp.broadcast_to(scale[:, None, :], (RB, NN, NN)).reshape(RB * NN, NN)
    j_lane = lax.broadcasted_iota(jnp.int32, (RB * NN, NN), 1)
    j_row = lax.broadcasted_iota(jnp.int32, (RB * NN, NN), 0) % NN
    masked = jnp.where(j_lane == j_row, rep, 0.0)
    scale_e = lax.dot_general(masked, jnp.ones((NN, F), jnp.float32),
                              (((1,), (0,)), ((), ())),
                              preferred_element_type=jnp.float32)

    am = am_ref[...]
    ai = jnp.broadcast_to(am[:, None, :], (RB, NN, F)).reshape(RB * NN, F)
    msij = ai * aj_ref[...] * rbfm * scale_e
    pout_ref[...] = p_ref[...] + msij
    aout_ref[...] = a_ref[...] + msij.reshape(RB, NN, F).sum(axis=1)


def _fuse_chunk(h, CB, p_f, aj_h, rbf_v, d_v, nm_v, a2, amsij, W_rbfT, b_rbf,
                aprev, pprev, RB):
    M, F = a2.shape
    E = p_f.shape[0]
    R = rbf_v.shape[2]
    NN = E // M
    A = M // d_v.shape[0]
    spb = A // RB
    steps = CB * spb
    eb = RB * NN
    body = functools.partial(_fuse_body, RB=RB, NN=NN, F=F, R=R)
    in_specs = [
        pl.BlockSpec((eb, F), lambda g: (h * steps + g, 0)),
        pl.BlockSpec((eb, F), lambda g: (g, 0)),
        pl.BlockSpec((1, NN, R, RB),
                     lambda g: (h * CB + g // spb, 0, 0, g % spb)),
        pl.BlockSpec((1, NN, RB),
                     lambda g: (h * CB + g // spb, 0, g % spb)),
        pl.BlockSpec((1, NN, RB),
                     lambda g: (h * CB + g // spb, 0, g % spb)),
        pl.BlockSpec((RB, F), lambda g: (h * steps + g, 0)),
        pl.BlockSpec((RB, F), lambda g: (h * steps + g, 0)),
        pl.BlockSpec((R, F), lambda g: (0, 0)),
        pl.BlockSpec((1, F), lambda g: (0, 0)),
    ]
    args = [p_f, aj_h, rbf_v, d_v, nm_v, a2, amsij, W_rbfT,
            b_rbf.reshape(1, F)]
    aliases = {}
    if aprev is not None:
        in_specs += [pl.BlockSpec(memory_space=pl.ANY),
                     pl.BlockSpec(memory_space=pl.ANY)]
        args += [aprev, pprev]
        aliases = {9: 0, 10: 1}
    return pl.pallas_call(
        body,
        grid=(steps,),
        in_specs=in_specs,
        out_specs=[
            pl.BlockSpec((RB, F), lambda g: (h * steps + g, 0)),
            pl.BlockSpec((eb, F), lambda g: (h * steps + g, 0)),
        ],
        out_shape=[
            jax.ShapeDtypeStruct((M, F), jnp.float32),
            jax.ShapeDtypeStruct((E, F), jnp.float32),
        ],
        scratch_shapes=[pltpu.VMEM((RB, NN, F), jnp.float32)],
        input_output_aliases=aliases,
    )(*args)


def kernel(a, p, rbf, D, N, NM, W_rbf, b_rbf, W1, b1, W2, b2):
    B, A, NN, F = p.shape
    R = rbf.shape[-1]
    M = B * A
    E = M * NN

    a2 = a.reshape(M, F)
    amsij = _mlp(a2, W1, b1, W2, b2)

    d_v = D.transpose(0, 2, 1)
    nm_v = NM.transpose(0, 2, 1)
    w_rbf_t = W_rbf.transpose(1, 0)

    CHUNKS = 1
    CB = B // CHUNKS
    idx = N.reshape(E)
    ajs = [_make_gather(h, CB, A, NN, F)(amsij, idx) for h in range(CHUNKS)]

    p_f = p.reshape(E, F)
    rbf_v = rbf.transpose(0, 2, 3, 1)
    aout, pout = None, None
    for h in range(CHUNKS):
        aout, pout = _fuse_chunk(h, CB, p_f, ajs[h], rbf_v, d_v, nm_v, a2,
                                 amsij, w_rbf_t, b_rbf, aout, pout, RB=128)
    return aout.reshape(B, A, F), pout.reshape(B, A, NN, F)

# --- scband reference (transcript-rebuilt; emitter-appended) ---
"""Pipeline reference for scband-message-passing-84920093376843 (READ-ONLY COPY).

The authoritative reference and input builder live on the scoring server;
editing this copy changes nothing except your own understanding.
"""

import jax, jax.numpy as jnp
import numpy as np

B, A, NN, F, R = 4, 512, 64, 128, 20
CUTOFF = 5.0

def poly_cutoff(d):
    # PolynomialCutoff with p=9: 1 - 55 x^9 + 99 x^10 - 45 x^11, zeroed beyond cutoff
    x = d / CUTOFF
    f = 1.0 - 55.0 * x**9 + 99.0 * x**10 - 45.0 * x**11
    return f * (d < CUTOFF).astype(d.dtype)

def setup_inputs(seed: int = 0):
    key = jax.random.key(seed)
    ks = jax.random.split(key, 12)
    a = jax.random.normal(ks[0], (B, A, F), dtype=jnp.float32)
    p = jax.random.normal(ks[1], (B, A, NN, F), dtype=jnp.float32)
    rbf = jax.random.normal(ks[2], (B, A, NN, R), dtype=jnp.float32)
    D = jax.random.uniform(ks[3], (B, A, NN), dtype=jnp.float32)
    N = jax.random.randint(ks[4], (B, A, NN), 0, A, dtype=jnp.int32)
    NM = jnp.ones((B, A, NN), dtype=jnp.float32)
    W_rbf = jax.random.normal(ks[5], (F, R), dtype=jnp.float32) / np.sqrt(R)
    b_rbf = jnp.zeros((F,), dtype=jnp.float32)
    W1 = jax.random.normal(ks[6], (F, F), dtype=jnp.float32) / np.sqrt(F)
    b1 = jnp.zeros((F,), dtype=jnp.float32)
    W2 = jax.random.normal(ks[7], (F, F), dtype=jnp.float32) / np.sqrt(F)
    b2 = jnp.zeros((F,), dtype=jnp.float32)
    return {"a": a, "p": p, "rbf": rbf, "D": D, "N": N, "NM": NM,
            "W_rbf": W_rbf, "b_rbf": b_rbf, "W1": W1, "b1": b1, "W2": W2, "b2": b2}

def reference(a, p, rbf, D, N, NM, W_rbf, b_rbf, W1, b1, W2, b2):
    # phi_rbf: Dense(resolution -> n_features), no activation
    rbf_msij = jnp.einsum('bane,fe->banf', rbf, W_rbf) + b_rbf
    rbf_msij = rbf_msij * poly_cutoff(D)[..., None]
    # phi_a: Dense(F->F, silu) -> Dense(F->F)
    h = jax.nn.silu(jnp.einsum('baf,gf->bag', a, W1) + b1)
    a_msij = jnp.einsum('bag,fg->baf', h, W2) + b2  # [B, A, F]
    # ai_msij: repeat per-neighbor (broadcast of center features)
    ai_msij = jnp.broadcast_to(a_msij[:, :, None, :], (B, A, NN, F))
    # aj_msij: gather neighbor features along atom dim
    idx = N.reshape(B, A * NN, 1).astype(jnp.int32)
    aj = jnp.take_along_axis(a_msij, jnp.broadcast_to(idx, (B, A * NN, F)), axis=1)
    aj_msij = aj.reshape(B, A, NN, F)
    msij = ai_msij * aj_msij * rbf_msij
    msij = msij * NM[..., None]
    a_out = a + jnp.sum(msij, axis=2)
    p_out = p + msij
    return (a_out, p_out)

if __name__ == "__main__":
    import jax
    _d = setup_inputs()
    print(jax.jit(kernel)(*tuple(_d.values())))

</pallas_src>

<mosaic_0001>
#map = affine_map<(d0, d1) -> (0, 0)>
#map1 = affine_map<(d0, d1) -> (0)>
module attributes {stable_mosaic.version = 14 : i64} {
  func.func @gather_k(%arg0: i32, %arg1: i32, %arg2: memref<2048x128xf32, #tpu.memory_space<hbm>>, %arg3: memref<131072xi32, #tpu.memory_space<hbm>>, %arg4: memref<131072x128xf32, #tpu.memory_space<hbm>>, %arg5: memref<128xi32, #tpu.memory_space<vmem>>, %arg6: memref<128xi32, #tpu.memory_space<vmem>>, %arg7: memref<128x128xf32, #tpu.memory_space<vmem>>, %arg8: memref<128x128xf32, #tpu.memory_space<vmem>>, %arg9: memref<!tpu.dma_semaphore, #tpu.memory_space<semaphore_mem>>, %arg10: memref<!tpu.dma_semaphore, #tpu.memory_space<semaphore_mem>>) attributes {dimension_semantics = [#tpu.dimension_semantics<core_parallel>, #tpu.dimension_semantics<subcore_parallel>], iteration_bounds = array<i64: 2, 16>, scalar_prefetch = 0 : i64, scratch_operands = 6 : i64, tpu.core_type = #tpu.core_type<sc_vector_subcore>, window_params = [{transform_indices = #map}, {transform_indices = #map1}, {transform_indices = #map}]} {
    %mul3A = arith.constant 2 : i32
    %mul3A_0 = arith.muli %arg1, %mul3A : i32
    %add3A = arith.addi %mul3A_0, %arg0 : i32
    %mul3A_1 = arith.constant 4096 : i32
    %mul3A_2 = arith.muli %add3A, %mul3A_1 : i32
    %jit3A = arith.constant 8 : i32
    %div3A = arith.divsi %add3A, %jit3A : i32
    %sign3A = arith.constant 0 : i32
    %sign3A_3 = arith.cmpi sgt, %add3A, %sign3A : i32
    %sign3A_4 = arith.extui %sign3A_3 : i1 to i32
    %sign3A_5 = arith.constant 0 : i32
    %sign3A_6 = arith.cmpi slt, %add3A, %sign3A_5 : i32
    %sign3A_7 = arith.extui %sign3A_6 : i1 to i32
    %sign3A_8 = arith.subi %sign3A_4, %sign3A_7 : i32
    %sign3A_9 = arith.constant 0 : i32
    %sign3A_10 = arith.cmpi sgt, %jit3A, %sign3A_9 : i32
    %sign3A_11 = arith.extui %sign3A_10 : i1 to i32
    %sign3A_12 = arith.constant 0 : i32
    %sign3A_13 = arith.cmpi slt, %jit3A, %sign3A_12 : i32
    %sign3A_14 = arith.extui %sign3A_13 : i1 to i32
    %sign3A_15 = arith.subi %sign3A_11, %sign3A_14 : i32
    %ne3A = arith.cmpi ne, %sign3A_8, %sign3A_15 : i32
    %rem3A = arith.remsi %add3A, %jit3A : i32
    %ne3A_16 = arith.constant 0 : i32
    %ne3A_17 = arith.cmpi ne, %rem3A, %ne3A_16 : i32
    %and3A = arith.andi %ne3A, %ne3A_17 : i1
    %sub3A = arith.constant 1 : i32
    %sub3A_18 = arith.subi %div3A, %sub3A : i32
    %select_n3A = arith.select %and3A, %sub3A_18, %div3A : i32
    %add3A_19 = arith.constant 0 : i32
    %add3A_20 = arith.addi %add3A_19, %select_n3A : i32
    %mul3A_21 = arith.constant 512 : i32
    %mul3A_22 = arith.muli %add3A_20, %mul3A_21 : i32
    %add3A_23 = arith.constant 0 : i32
    %add3A_24 = arith.addi %mul3A_2, %add3A_23 : i32
    %add3A_25 = arith.constant 0 : i32
    %add3A_26 = arith.addi %add3A_25, %add3A_24 : i32
    "tpu.region"() ({
      %run_scoped3A = tpu.sem_alloc : memref<!tpu.dma_semaphore, #tpu.memory_space<semaphore_mem>>
      %dma_start3A_105 = tpu.memref_slice %arg3[%add3A_26] : memref<131072xi32, #tpu.memory_space<hbm>> -> memref<128xi32, #tpu.memory_space<hbm>>
      %dma_start3A_106 = tpu.memref_slice %arg3[%add3A_26] : memref<131072xi32, #tpu.memory_space<hbm>> -> memref<128xi32, #tpu.memory_space<hbm>>
      tpu.enqueue_dma source(%dma_start3A_106 : memref<128xi32, #tpu.memory_space<hbm>>) target(%arg5 : memref<128xi32, #tpu.memory_space<vmem>>) target_semaphore(%run_scoped3A : memref<!tpu.dma_semaphore, #tpu.memory_space<semaphore_mem>>)
      %dma_wait3A = tpu.memref_slice %arg3[%add3A_26] : memref<131072xi32, #tpu.memory_space<hbm>> -> memref<128xi32, #tpu.memory_space<hbm>>
      %dma_wait3A_107 = tpu.memref_slice %arg3[%add3A_26] : memref<131072xi32, #tpu.memory_space<hbm>> -> memref<128xi32, #tpu.memory_space<hbm>>
      tpu.wait_dma2 semaphore(%run_scoped3A : memref<!tpu.dma_semaphore, #tpu.memory_space<semaphore_mem>>) src(%dma_wait3A_107 : memref<128xi32, #tpu.memory_space<hbm>>) dst(%arg5 : memref<128xi32, #tpu.memory_space<vmem>>)
      tpu.yield
    }) : () -> ()
    %get3A = arith.constant 0 : index
    %get3A_27 = tpu.vector_load %arg5[%get3A] {strides = array<i32>} : memref<128xi32, #tpu.memory_space<vmem>>, vector<16xi32>,
    %get3A_28 = vector.shape_cast %get3A_27 : vector<16xi32> to vector<16xi32>
    %add3A_29 = vector.broadcast %mul3A_22 : i32 to vector<16xi32>
    %add3A_30 = arith.addi %get3A_28, %add3A_29 : vector<16xi32>
    %swap3A = arith.constant 0 : index
    %swap3A_31 = tpu.vector_load %arg5[%swap3A] {strides = array<i32>} : memref<128xi32, #tpu.memory_space<vmem>>, vector<16xi32>,
    %swap3A_32 = vector.shape_cast %swap3A_31 : vector<16xi32> to vector<16xi32>
    %swap3A_33 = vector.shape_cast %add3A_30 : vector<16xi32> to vector<16xi32>
    tpu.vector_store %arg5[%swap3A], %swap3A_33 {strides = array<i32>} : memref<128xi32, #tpu.memory_space<vmem>>, vector<16xi32>,
    %get3A_34 = arith.constant 16 : index
    %get3A_35 = tpu.vector_load %arg5[%get3A_34] {strides = array<i32>} : memref<128xi32, #tpu.memory_space<vmem>>, vector<16xi32>,
    %get3A_36 = vector.shape_cast %get3A_35 : vector<16xi32> to vector<16xi32>
    %add3A_37 = vector.broadcast %mul3A_22 : i32 to vector<16xi32>
    %add3A_38 = arith.addi %get3A_36, %add3A_37 : vector<16xi32>
    %swap3A_39 = arith.constant 16 : index
    %swap3A_40 = tpu.vector_load %arg5[%swap3A_39] {strides = array<i32>} : memref<128xi32, #tpu.memory_space<vmem>>, vector<16xi32>,
    %swap3A_41 = vector.shape_cast %swap3A_40 : vector<16xi32> to vector<16xi32>
    %swap3A_42 = vector.shape_cast %add3A_38 : vector<16xi32> to vector<16xi32>
    tpu.vector_store %arg5[%swap3A_39], %swap3A_42 {strides = array<i32>} : memref<128xi32, #tpu.memory_space<vmem>>, vector<16xi32>,
    %get3A_43 = arith.constant 32 : index
    %get3A_44 = tpu.vector_load %arg5[%get3A_43] {strides = array<i32>} : memref<128xi32, #tpu.memory_space<vmem>>, vector<16xi32>,
    %get3A_45 = vector.shape_cast %get3A_44 : vector<16xi32> to vector<16xi32>
    %add3A_46 = vector.broadcast %mul3A_22 : i32 to vector<16xi32>
    %add3A_47 = arith.addi %get3A_45, %add3A_46 : vector<16xi32>
    %swap3A_48 = arith.constant 32 : index
    %swap3A_49 = tpu.vector_load %arg5[%swap3A_48] {strides = array<i32>} : memref<128xi32, #tpu.memory_space<vmem>>, vector<16xi32>,
    %swap3A_50 = vector.shape_cast %swap3A_49 : vector<16xi32> to vector<16xi32>
    %swap3A_51 = vector.shape_cast %add3A_47 : vector<16xi32> to vector<16xi32>
    tpu.vector_store %arg5[%swap3A_48], %swap3A_51 {strides = array<i32>} : memref<128xi32, #tpu.memory_space<vmem>>, vector<16xi32>,
    %get3A_52 = arith.constant 48 : index
    %get3A_53 = tpu.vector_load %arg5[%get3A_52] {strides = array<i32>} : memref<128xi32, #tpu.memory_space<vmem>>, vector<16xi32>,
    %get3A_54 = vector.shape_cast %get3A_53 : vector<16xi32> to vector<16xi32>
    %add3A_55 = vector.broadcast %mul3A_22 : i32 to vector<16xi32>
    %add3A_56 = arith.addi %get3A_54, %add3A_55 : vector<16xi32>
    %swap3A_57 = arith.constant 48 : index
    %swap3A_58 = tpu.vector_load %arg5[%swap3A_57] {strides = array<i32>} : memref<128xi32, #tpu.memory_space<vmem>>, vector<16xi32>,
    %swap3A_59 = vector.shape_cast %swap3A_58 : vector<16xi32> to vector<16xi32>
    %swap3A_60 = vector.shape_cast %add3A_56 : vector<16xi32> to vector<16xi32>
    tpu.vector_store %arg5[%swap3A_57], %swap3A_60 {strides = array<i32>} : memref<128xi32, #tpu.memory_space<vmem>>, vector<16xi32>,
    %get3A_61 = arith.constant 64 : index
    %get3A_62 = tpu.vector_load %arg5[%get3A_61] {strides = array<i32>} : memref<128xi32, #tpu.memory_space<vmem>>, vector<16xi32>,
    %get3A_63 = vector.shape_cast %get3A_62 : vector<16xi32> to vector<16xi32>
    %add3A_64 = vector.broadcast %mul3A_22 : i32 to vector<16xi32>
    %add3A_65 = arith.addi %get3A_63, %add3A_64 : vector<16xi32>
    %swap3A_66 = arith.constant 64 : index
    %swap3A_67 = tpu.vector_load %arg5[%swap3A_66] {strides = array<i32>} : memref<128xi32, #tpu.memory_space<vmem>>, vector<16xi32>,
    %swap3A_68 = vector.shape_cast %swap3A_67 : vector<16xi32> to vector<16xi32>
    %swap3A_69 = vector.shape_cast %add3A_65 : vector<16xi32> to vector<16xi32>
    tpu.vector_store %arg5[%swap3A_66], %swap3A_69 {strides = array<i32>} : memref<128xi32, #tpu.memory_space<vmem>>, vector<16xi32>,
    %get3A_70 = arith.constant 80 : index
    %get3A_71 = tpu.vector_load %arg5[%get3A_70] {strides = array<i32>} : memref<128xi32, #tpu.memory_space<vmem>>, vector<16xi32>,
    %get3A_72 = vector.shape_cast %get3A_71 : vector<16xi32> to vector<16xi32>
    %add3A_73 = vector.broadcast %mul3A_22 : i32 to vector<16xi32>
    %add3A_74 = arith.addi %get3A_72, %add3A_73 : vector<16xi32>
    %swap3A_75 = arith.constant 80 : index
    %swap3A_76 = tpu.vector_load %arg5[%swap3A_75] {strides = array<i32>} : memref<128xi32, #tpu.memory_space<vmem>>, vector<16xi32>,
    %swap3A_77 = vector.shape_cast %swap3A_76 : vector<16xi32> to vector<16xi32>
    %swap3A_78 = vector.shape_cast %add3A_74 : vector<16xi32> to vector<16xi32>
    tpu.vector_store %arg5[%swap3A_75], %swap3A_78 {strides = array<i32>} : memref<128xi32, #tpu.memory_space<vmem>>, vector<16xi32>,
    %get3A_79 = arith.constant 96 : index
    %get3A_80 = tpu.vector_load %arg5[%get3A_79] {strides = array<i32>} : memref<128xi32, #tpu.memory_space<vmem>>, vector<16xi32>,
    %get3A_81 = vector.shape_cast %get3A_80 : vector<16xi32> to vector<16xi32>
    %add3A_82 = vector.broadcast %mul3A_22 : i32 to vector<16xi32>
    %add3A_83 = arith.addi %get3A_81, %add3A_82 : vector<16xi32>
    %swap3A_84 = arith.constant 96 : index
    %swap3A_85 = tpu.vector_load %arg5[%swap3A_84] {strides = array<i32>} : memref<128xi32, #tpu.memory_space<vmem>>, vector<16xi32>,
    %swap3A_86 = vector.shape_cast %swap3A_85 : vector<16xi32> to vector<16xi32>
    %swap3A_87 = vector.shape_cast %add3A_83 : vector<16xi32> to vector<16xi32>
    tpu.vector_store %arg5[%swap3A_84], %swap3A_87 {strides = array<i32>} : memref<128xi32, #tpu.memory_space<vmem>>, vector<16xi32>,
    %get3A_88 = arith.constant 112 : index
    %get3A_89 = tpu.vector_load %arg5[%get3A_88] {strides = array<i32>} : memref<128xi32, #tpu.memory_space<vmem>>, vector<16xi32>,
    %get3A_90 = vector.shape_cast %get3A_89 : vector<16xi32> to vector<16xi32>
    %add3A_91 = vector.broadcast %mul3A_22 : i32 to vector<16xi32>
    %add3A_92 = arith.addi %get3A_90, %add3A_91 : vector<16xi32>
    %swap3A_93 = arith.constant 112 : index
    %swap3A_94 = tpu.vector_load %arg5[%swap3A_93] {strides = array<i32>} : memref<128xi32, #tpu.memory_space<vmem>>, vector<16xi32>,
    %swap3A_95 = vector.shape_cast %swap3A_94 : vector<16xi32> to vector<16xi32>
    %swap3A_96 = vector.shape_cast %add3A_92 : vector<16xi32> to vector<16xi32>
    tpu.vector_store %arg5[%swap3A_93], %swap3A_96 {strides = array<i32>} : memref<128xi32, #tpu.memory_space<vmem>>, vector<16xi32>,
    %dma_start3A = arith.constant 0 : i32
    %dma_start3A_97 = arith.constant 0 : i32
    %dma_start3A_98 = tpu.memref_slice %arg2[%dma_start3A, %dma_start3A_97] : memref<2048x128xf32, #tpu.memory_space<hbm>> -> memref<2048x128xf32, #tpu.memory_space<hbm>>
    tpu.enqueue_indirect_dma source(%dma_start3A_98 : memref<2048x128xf32, #tpu.memory_space<hbm>>) target(%arg7 : memref<128x128xf32, #tpu.memory_space<vmem>>) offsets(%arg5 : memref<128xi32, #tpu.memory_space<vmem>>) semaphore(%arg9 : memref<!tpu.dma_semaphore, #tpu.memory_space<semaphore_mem>>)
    %scan3A = arith.constant 0 : i32
    %scan3A_99 = arith.constant 0 : i32
    %scan3A_100 = arith.constant 32 : i32
    %scan3A_101 = arith.addi %scan3A_99, %scan3A_100 : i32
    %scan3A_102 = arith.constant 1 : i32
    %scan3A_103 = scf.for %scan3A_105 = %scan3A_99 to %scan3A_101 step %scan3A_102 iter_args(%scan3A_106 = %scan3A) -> (i32)  : i32 {
      %rem3A_107 = arith.constant 2 : i32
      %rem3A_108 = arith.remsi %scan3A_105, %rem3A_107 : i32
      %add3A_109 = arith.constant 1 : i32
      %add3A_110 = arith.addi %scan3A_105, %add3A_109 : i32
      %lt3A = arith.constant 32 : i32
      %lt3A_111 = arith.cmpi slt, %add3A_110, %lt3A : i32
      %convert_element_type3A = arith.extui %lt3A_111 : i1 to i32
      %cond3A = arith.constant 0 : i32
      %cond3A_112 = arith.cmpi ne, %convert_element_type3A, %cond3A : i32
      scf.if %cond3A_112 {
        %sub3A_119 = arith.constant 1 : i32
        %sub3A_120 = arith.subi %sub3A_119, %rem3A_108 : i32
        %clamp3A_121 = arith.constant 0 : i32
        %clamp3A_122 = arith.constant 1 : i32
        %clamp3A_123 = arith.maxsi %sub3A_120, %clamp3A_121 : i32
        %clamp3A_124 = arith.minsi %clamp3A_123, %clamp3A_122 : i32
        %cond3A_125 = arith.constant 0 : i32
        %cond3A_126 = arith.cmpi ne, %clamp3A_124, %cond3A_125 : i32
        scf.if %cond3A_126 {
          %add3A_127 = arith.constant 1 : i32
          %add3A_128 = arith.addi %scan3A_105, %add3A_127 : i32
          %mul3A_129 = arith.constant 128 : i32
          %mul3A_130 = arith.muli %add3A_128, %mul3A_129 : i32
          %add3A_131 = arith.addi %mul3A_2, %mul3A_130 : i32
          %add3A_132 = arith.constant 0 : i32
          %add3A_133 = arith.addi %add3A_132, %add3A_131 : i32
          "tpu.region"() ({
            %run_scoped3A = tpu.sem_alloc : memref<!tpu.dma_semaphore, #tpu.memory_space<semaphore_mem>>
            %dma_start3A_209 = tpu.memref_slice %arg3[%add3A_133] : memref<131072xi32, #tpu.memory_space<hbm>> -> memref<128xi32, #tpu.memory_space<hbm>>
            %dma_start3A_210 = tpu.memref_slice %arg3[%add3A_133] : memref<131072xi32, #tpu.memory_space<hbm>> -> memref<128xi32, #tpu.memory_space<hbm>>
            tpu.enqueue_dma source(%dma_start3A_210 : memref<128xi32, #tpu.memory_space<hbm>>) target(%arg6 : memref<128xi32, #tpu.memory_space<vmem>>) target_semaphore(%run_scoped3A : memref<!tpu.dma_semaphore, #tpu.memory_space<semaphore_mem>>)
            %dma_wait3A = tpu.memref_slice %arg3[%add3A_133] : memref<131072xi32, #tpu.memory_space<hbm>> -> memref<128xi32, #tpu.memory_space<hbm>>
            %dma_wait3A_211 = tpu.memref_slice %arg3[%add3A_133] : memref<131072xi32, #tpu.memory_space<hbm>> -> memref<128xi32, #tpu.memory_space<hbm>>
            tpu.wait_dma2 semaphore(%run_scoped3A : memref<!tpu.dma_semaphore, #tpu.memory_space<semaphore_mem>>) src(%dma_wait3A_211 : memref<128xi32, #tpu.memory_space<hbm>>) dst(%arg6 : memref<128xi32, #tpu.memory_space<vmem>>)
            tpu.yield
          }) : () -> ()
          %get3A_134 = arith.constant 0 : index
          %get3A_135 = tpu.vector_load %arg6[%get3A_134] {strides = array<i32>} : memref<128xi32, #tpu.memory_space<vmem>>, vector<16xi32>,
          %get3A_136 = vector.shape_cast %get3A_135 : vector<16xi32> to vector<16xi32>
          %add3A_137 = vector.broadcast %mul3A_22 : i32 to vector<16xi32>
          %add3A_138 = arith.addi %get3A_136, %add3A_137 : vector<16xi32>
          %swap3A_139 = arith.constant 0 : index
          %swap3A_140 = tpu.vector_load %arg6[%swap3A_139] {strides = array<i32>} : memref<128xi32, #tpu.memory_space<vmem>>, vector<16xi32>,
          %swap3A_141 = vector.shape_cast %swap3A_140 : vector<16xi32> to vector<16xi32>
          %swap3A_142 = vector.shape_cast %add3A_138 : vector<16xi32> to vector<16xi32>
          tpu.vector_store %arg6[%swap3A_139], %swap3A_142 {strides = array<i32>} : memref<128xi32, #tpu.memory_space<vmem>>, vector<16xi32>,
          %get3A_143 = arith.constant 16 : index
          %get3A_144 = tpu.vector_load %arg6[%get3A_143] {strides = array<i32>} : memref<128xi32, #tpu.memory_space<vmem>>, vector<16xi32>,
          %get3A_145 = vector.shape_cast %get3A_144 : vector<16xi32> to vector<16xi32>
          %add3A_146 = vector.broadcast %mul3A_22 : i32 to vector<16xi32>
          %add3A_147 = arith.addi %get3A_145, %add3A_146 : vector<16xi32>
          %swap3A_148 = arith.constant 16 : index
          %swap3A_149 = tpu.vector_load %arg6[%swap3A_148] {strides = array<i32>} : memref<128xi32, #tpu.memory_space<vmem>>, vector<16xi32>,
          %swap3A_150 = vector.shape_cast %swap3A_149 : vector<16xi32> to vector<16xi32>
          %swap3A_151 = vector.shape_cast %add3A_147 : vector<16xi32> to vector<16xi32>
          tpu.vector_store %arg6[%swap3A_148], %swap3A_151 {strides = array<i32>} : memref<128xi32, #tpu.memory_space<vmem>>, vector<16xi32>,
          %get3A_152 = arith.constant 32 : index
          %get3A_153 = tpu.vector_load %arg6[%get3A_152] {strides = array<i32>} : memref<128xi32, #tpu.memory_space<vmem>>, vector<16xi32>,
          %get3A_154 = vector.shape_cast %get3A_153 : vector<16xi32> to vector<16xi32>
          %add3A_155 = vector.broadcast %mul3A_22 : i32 to vector<16xi32>
          %add3A_156 = arith.addi %get3A_154, %add3A_155 : vector<16xi32>
          %swap3A_157 = arith.constant 32 : index
          %swap3A_158 = tpu.vector_load %arg6[%swap3A_157] {strides = array<i32>} : memref<128xi32, #tpu.memory_space<vmem>>, vector<16xi32>,
          %swap3A_159 = vector.shape_cast %swap3A_158 : vector<16xi32> to vector<16xi32>
          %swap3A_160 = vector.shape_cast %add3A_156 : vector<16xi32> to vector<16xi32>
          tpu.vector_store %arg6[%swap3A_157], %swap3A_160 {strides = array<i32>} : memref<128xi32, #tpu.memory_space<vmem>>, vector<16xi32>,
          %get3A_161 = arith.constant 48 : index
          %get3A_162 = tpu.vector_load %arg6[%get3A_161] {strides = array<i32>} : memref<128xi32, #tpu.memory_space<vmem>>, vector<16xi32>,
          %get3A_163 = vector.shape_cast %get3A_162 : vector<16xi32> to vector<16xi32>
          %add3A_164 = vector.broadcast %mul3A_22 : i32 to vector<16xi32>
          %add3A_165 = arith.addi %get3A_163, %add3A_164 : vector<16xi32>
          %swap3A_166 = arith.constant 48 : index
          %swap3A_167 = tpu.vector_load %arg6[%swap3A_166] {strides = array<i32>} : memref<128xi32, #tpu.memory_space<vmem>>, vector<16xi32>,
          %swap3A_168 = vector.shape_cast %swap3A_167 : vector<16xi32> to vector<16xi32>
          %swap3A_169 = vector.shape_cast %add3A_165 : vector<16xi32> to vector<16xi32>
          tpu.vector_store %arg6[%swap3A_166], %swap3A_169 {strides = array<i32>} : memref<128xi32, #tpu.memory_space<vmem>>, vector<16xi32>,
          %get3A_170 = arith.constant 64 : index
          %get3A_171 = tpu.vector_load %arg6[%get3A_170] {strides = array<i32>} : memref<128xi32, #tpu.memory_space<vmem>>, vector<16xi32>,
          %get3A_172 = vector.shape_cast %get3A_171 : vector<16xi32> to vector<16xi32>
          %add3A_173 = vector.broadcast %mul3A_22 : i32 to vector<16xi32>
          %add3A_174 = arith.addi %get3A_172, %add3A_173 : vector<16xi32>
          %swap3A_175 = arith.constant 64 : index
          %swap3A_176 = tpu.vector_load %arg6[%swap3A_175] {strides = array<i32>} : memref<128xi32, #tpu.memory_space<vmem>>, vector<16xi32>,
          %swap3A_177 = vector.shape_cast %swap3A_176 : vector<16xi32> to vector<16xi32>
          %swap3A_178 = vector.shape_cast %add3A_174 : vector<16xi32> to vector<16xi32>
          tpu.vector_store %arg6[%swap3A_175], %swap3A_178 {strides = array<i32>} : memref<128xi32, #tpu.memory_space<vmem>>, vector<16xi32>,
          %get3A_179 = arith.constant 80 : index
          %get3A_180 = tpu.vector_load %arg6[%get3A_179] {strides = array<i32>} : memref<128xi32, #tpu.memory_space<vmem>>, vector<16xi32>,
          %get3A_181 = vector.shape_cast %get3A_180 : vector<16xi32> to vector<16xi32>
          %add3A_182 = vector.broadcast %mul3A_22 : i32 to vector<16xi32>
          %add3A_183 = arith.addi %get3A_181, %add3A_182 : vector<16xi32>
          %swap3A_184 = arith.constant 80 : index
          %swap3A_185 = tpu.vector_load %arg6[%swap3A_184] {strides = array<i32>} : memref<128xi32, #tpu.memory_space<vmem>>, vector<16xi32>,
          %swap3A_186 = vector.shape_cast %swap3A_185 : vector<16xi32> to vector<16xi32>
          %swap3A_187 = vector.shape_cast %add3A_183 : vector<16xi32> to vector<16xi32>
          tpu.vector_store %arg6[%swap3A_184], %swap3A_187 {strides = array<i32>} : memref<128xi32, #tpu.memory_space<vmem>>, vector<16xi32>,
          %get3A_188 = arith.constant 96 : index
          %get3A_189 = tpu.vector_load %arg6[%get3A_188] {strides = array<i32>} : memref<128xi32, #tpu.memory_space<vmem>>, vector<16xi32>,
          %get3A_190 = vector.shape_cast %get3A_189 : vector<16xi32> to vector<16xi32>
          %add3A_191 = vector.broadcast %mul3A_22 : i32 to vector<16xi32>
          %add3A_192 = arith.addi %get3A_190, %add3A_191 : vector<16xi32>
          %swap3A_193 = arith.constant 96 : index
          %swap3A_194 = tpu.vector_load %arg6[%swap3A_193] {strides = array<i32>} : memref<128xi32, #tpu.memory_space<vmem>>, vector<16xi32>,
          %swap3A_195 = vector.shape_cast %swap3A_194 : vector<16xi32> to vector<16xi32>
          %swap3A_196 = vector.shape_cast %add3A_192 : vector<16xi32> to vector<16xi32>
          tpu.vector_store %arg6[%swap3A_193], %swap3A_196 {strides = array<i32>} : memref<128xi32, #tpu.memory_space<vmem>>, vector<16xi32>,
          %get3A_197 = arith.constant 112 : index
          %get3A_198 = tpu.vector_load %arg6[%get3A_197] {strides = array<i32>} : memref<128xi32, #tpu.memory_space<vmem>>, vector<16xi32>,
          %get3A_199 = vector.shape_cast %get3A_198 : vector<16xi32> to vector<16xi32>
          %add3A_200 = vector.broadcast %mul3A_22 : i32 to vector<16xi32>
          %add3A_201 = arith.addi %get3A_199, %add3A_200 : vector<16xi32>
          %swap3A_202 = arith.constant 112 : index
          %swap3A_203 = tpu.vector_load %arg6[%swap3A_202] {strides = array<i32>} : memref<128xi32, #tpu.memory_space<vmem>>, vector<16xi32>,
          %swap3A_204 = vector.shape_cast %swap3A_203 : vector<16xi32> to vector<16xi32>
          %swap3A_205 = vector.shape_cast %add3A_201 : vector<16xi32> to vector<16xi32>
          tpu.vector_store %arg6[%swap3A_202], %swap3A_205 {strides = array<i32>} : memref<128xi32, #tpu.memory_space<vmem>>, vector<16xi32>,
          %dma_start3A_206 = arith.constant 0 : i32
          %dma_start3A_207 = arith.constant 0 : i32
          %dma_start3A_208 = tpu.memref_slice %arg2[%dma_start3A_206, %dma_start3A_207] : memref<2048x128xf32, #tpu.memory_space<hbm>> -> memref<2048x128xf32, #tpu.memory_space<hbm>>
          tpu.enqueue_indirect_dma source(%dma_start3A_208 : memref<2048x128xf32, #tpu.memory_space<hbm>>) target(%arg8 : memref<128x128xf32, #tpu.memory_space<vmem>>) offsets(%arg6 : memref<128xi32, #tpu.memory_space<vmem>>) semaphore(%arg10 : memref<!tpu.dma_semaphore, #tpu.memory_space<semaphore_mem>>)
        } else {
          %add3A_127 = arith.constant 1 : i32
          %add3A_128 = arith.addi %scan3A_105, %add3A_127 : i32
          %mul3A_129 = arith.constant 128 : i32
          %mul3A_130 = arith.muli %add3A_128, %mul3A_129 : i32
          %add3A_131 = arith.addi %mul3A_2, %mul3A_130 : i32
          %add3A_132 = arith.constant 0 : i32
          %add3A_133 = arith.addi %add3A_132, %add3A_131 : i32
          "tpu.region"() ({
            %run_scoped3A = tpu.sem_alloc : memref<!tpu.dma_semaphore, #tpu.memory_space<semaphore_mem>>
            %dma_start3A_209 = tpu.memref_slice %arg3[%add3A_133] : memref<131072xi32, #tpu.memory_space<hbm>> -> memref<128xi32, #tpu.memory_space<hbm>>
            %dma_start3A_210 = tpu.memref_slice %arg3[%add3A_133] : memref<131072xi32, #tpu.memory_space<hbm>> -> memref<128xi32, #tpu.memory_space<hbm>>
            tpu.enqueue_dma source(%dma_start3A_210 : memref<128xi32, #tpu.memory_space<hbm>>) target(%arg5 : memref<128xi32, #tpu.memory_space<vmem>>) target_semaphore(%run_scoped3A : memref<!tpu.dma_semaphore, #tpu.memory_space<semaphore_mem>>)
            %dma_wait3A = tpu.memref_slice %arg3[%add3A_133] : memref<131072xi32, #tpu.memory_space<hbm>> -> memref<128xi32, #tpu.memory_space<hbm>>
            %dma_wait3A_211 = tpu.memref_slice %arg3[%add3A_133] : memref<131072xi32, #tpu.memory_space<hbm>> -> memref<128xi32, #tpu.memory_space<hbm>>
            tpu.wait_dma2 semaphore(%run_scoped3A : memref<!tpu.dma_semaphore, #tpu.memory_space<semaphore_mem>>) src(%dma_wait3A_211 : memref<128xi32, #tpu.memory_space<hbm>>) dst(%arg5 : memref<128xi32, #tpu.memory_space<vmem>>)
            tpu.yield
          }) : () -> ()
          %get3A_134 = arith.constant 0 : index
          %get3A_135 = tpu.vector_load %arg5[%get3A_134] {strides = array<i32>} : memref<128xi32, #tpu.memory_space<vmem>>, vector<16xi32>,
          %get3A_136 = vector.shape_cast %get3A_135 : vector<16xi32> to vector<16xi32>
          %add3A_137 = vector.broadcast %mul3A_22 : i32 to vector<16xi32>
          %add3A_138 = arith.addi %get3A_136, %add3A_137 : vector<16xi32>
          %swap3A_139 = arith.constant 0 : index
          %swap3A_140 = tpu.vector_load %arg5[%swap3A_139] {strides = array<i32>} : memref<128xi32, #tpu.memory_space<vmem>>, vector<16xi32>,
          %swap3A_141 = vector.shape_cast %swap3A_140 : vector<16xi32> to vector<16xi32>
          %swap3A_142 = vector.shape_cast %add3A_138 : vector<16xi32> to vector<16xi32>
          tpu.vector_store %arg5[%swap3A_139], %swap3A_142 {strides = array<i32>} : memref<128xi32, #tpu.memory_space<vmem>>, vector<16xi32>,
          %get3A_143 = arith.constant 16 : index
          %get3A_144 = tpu.vector_load %arg5[%get3A_143] {strides = array<i32>} : memref<128xi32, #tpu.memory_space<vmem>>, vector<16xi32>,
          %get3A_145 = vector.shape_cast %get3A_144 : vector<16xi32> to vector<16xi32>
          %add3A_146 = vector.broadcast %mul3A_22 : i32 to vector<16xi32>
          %add3A_147 = arith.addi %get3A_145, %add3A_146 : vector<16xi32>
          %swap3A_148 = arith.constant 16 : index
          %swap3A_149 = tpu.vector_load %arg5[%swap3A_148] {strides = array<i32>} : memref<128xi32, #tpu.memory_space<vmem>>, vector<16xi32>,
          %swap3A_150 = vector.shape_cast %swap3A_149 : vector<16xi32> to vector<16xi32>
          %swap3A_151 = vector.shape_cast %add3A_147 : vector<16xi32> to vector<16xi32>
          tpu.vector_store %arg5[%swap3A_148], %swap3A_151 {strides = array<i32>} : memref<128xi32, #tpu.memory_space<vmem>>, vector<16xi32>,
          %get3A_152 = arith.constant 32 : index
          %get3A_153 = tpu.vector_load %arg5[%get3A_152] {strides = array<i32>} : memref<128xi32, #tpu.memory_space<vmem>>, vector<16xi32>,
          %get3A_154 = vector.shape_cast %get3A_153 : vector<16xi32> to vector<16xi32>
          %add3A_155 = vector.broadcast %mul3A_22 : i32 to vector<16xi32>
          %add3A_156 = arith.addi %get3A_154, %add3A_155 : vector<16xi32>
          %swap3A_157 = arith.constant 32 : index
          %swap3A_158 = tpu.vector_load %arg5[%swap3A_157] {strides = array<i32>} : memref<128xi32, #tpu.memory_space<vmem>>, vector<16xi32>,
          %swap3A_159 = vector.shape_cast %swap3A_158 : vector<16xi32> to vector<16xi32>
          %swap3A_160 = vector.shape_cast %add3A_156 : vector<16xi32> to vector<16xi32>
          tpu.vector_store %arg5[%swap3A_157], %swap3A_160 {strides = array<i32>} : memref<128xi32, #tpu.memory_space<vmem>>, vector<16xi32>,
          %get3A_161 = arith.constant 48 : index
          %get3A_162 = tpu.vector_load %arg5[%get3A_161] {strides = array<i32>} : memref<128xi32, #tpu.memory_space<vmem>>, vector<16xi32>,
          %get3A_163 = vector.shape_cast %get3A_162 : vector<16xi32> to vector<16xi32>
          %add3A_164 = vector.broadcast %mul3A_22 : i32 to vector<16xi32>
          %add3A_165 = arith.addi %get3A_163, %add3A_164 : vector<16xi32>
          %swap3A_166 = arith.constant 48 : index
          %swap3A_167 = tpu.vector_load %arg5[%swap3A_166] {strides = array<i32>} : memref<128xi32, #tpu.memory_space<vmem>>, vector<16xi32>,
          %swap3A_168 = vector.shape_cast %swap3A_167 : vector<16xi32> to vector<16xi32>
          %swap3A_169 = vector.shape_cast %add3A_165 : vector<16xi32> to vector<16xi32>
          tpu.vector_store %arg5[%swap3A_166], %swap3A_169 {strides = array<i32>} : memref<128xi32, #tpu.memory_space<vmem>>, vector<16xi32>,
          %get3A_170 = arith.constant 64 : index
          %get3A_171 = tpu.vector_load %arg5[%get3A_170] {strides = array<i32>} : memref<128xi32, #tpu.memory_space<vmem>>, vector<16xi32>,
          %get3A_172 = vector.shape_cast %get3A_171 : vector<16xi32> to vector<16xi32>
          %add3A_173 = vector.broadcast %mul3A_22 : i32 to vector<16xi32>
          %add3A_174 = arith.addi %get3A_172, %add3A_173 : vector<16xi32>
          %swap3A_175 = arith.constant 64 : index
          %swap3A_176 = tpu.vector_load %arg5[%swap3A_175] {strides = array<i32>} : memref<128xi32, #tpu.memory_space<vmem>>, vector<16xi32>,
          %swap3A_177 = vector.shape_cast %swap3A_176 : vector<16xi32> to vector<16xi32>
          %swap3A_178 = vector.shape_cast %add3A_174 : vector<16xi32> to vector<16xi32>
          tpu.vector_store %arg5[%swap3A_175], %swap3A_178 {strides = array<i32>} : memref<128xi32, #tpu.memory_space<vmem>>, vector<16xi32>,
          %get3A_179 = arith.constant 80 : index
          %get3A_180 = tpu.vector_load %arg5[%get3A_179] {strides = array<i32>} : memref<128xi32, #tpu.memory_space<vmem>>, vector<16xi32>,
          %get3A_181 = vector.shape_cast %get3A_180 : vector<16xi32> to vector<16xi32>
          %add3A_182 = vector.broadcast %mul3A_22 : i32 to vector<16xi32>
          %add3A_183 = arith.addi %get3A_181, %add3A_182 : vector<16xi32>
          %swap3A_184 = arith.constant 80 : index
          %swap3A_185 = tpu.vector_load %arg5[%swap3A_184] {strides = array<i32>} : memref<128xi32, #tpu.memory_space<vmem>>, vector<16xi32>,
          %swap3A_186 = vector.shape_cast %swap3A_185 : vector<16xi32> to vector<16xi32>
          %swap3A_187 = vector.shape_cast %add3A_183 : vector<16xi32> to vector<16xi32>
          tpu.vector_store %arg5[%swap3A_184], %swap3A_187 {strides = array<i32>} : memref<128xi32, #tpu.memory_space<vmem>>, vector<16xi32>,
          %get3A_188 = arith.constant 96 : index
          %get3A_189 = tpu.vector_load %arg5[%get3A_188] {strides = array<i32>} : memref<128xi32, #tpu.memory_space<vmem>>, vector<16xi32>,
          %get3A_190 = vector.shape_cast %get3A_189 : vector<16xi32> to vector<16xi32>
          %add3A_191 = vector.broadcast %mul3A_22 : i32 to vector<16xi32>
          %add3A_192 = arith.addi %get3A_190, %add3A_191 : vector<16xi32>
          %swap3A_193 = arith.constant 96 : index
          %swap3A_194 = tpu.vector_load %arg5[%swap3A_193] {strides = array<i32>} : memref<128xi32, #tpu.memory_space<vmem>>, vector<16xi32>,
          %swap3A_195 = vector.shape_cast %swap3A_194 : vector<16xi32> to vector<16xi32>
          %swap3A_196 = vector.shape_cast %add3A_192 : vector<16xi32> to vector<16xi32>
          tpu.vector_store %arg5[%swap3A_193], %swap3A_196 {strides = array<i32>} : memref<128xi32, #tpu.memory_space<vmem>>, vector<16xi32>,
          %get3A_197 = arith.constant 112 : index
          %get3A_198 = tpu.vector_load %arg5[%get3A_197] {strides = array<i32>} : memref<128xi32, #tpu.memory_space<vmem>>, vector<16xi32>,
          %get3A_199 = vector.shape_cast %get3A_198 : vector<16xi32> to vector<16xi32>
          %add3A_200 = vector.broadcast %mul3A_22 : i32 to vector<16xi32>
          %add3A_201 = arith.addi %get3A_199, %add3A_200 : vector<16xi32>
          %swap3A_202 = arith.constant 112 : index
          %swap3A_203 = tpu.vector_load %arg5[%swap3A_202] {strides = array<i32>} : memref<128xi32, #tpu.memory_space<vmem>>, vector<16xi32>,
          %swap3A_204 = vector.shape_cast %swap3A_203 : vector<16xi32> to vector<16xi32>
          %swap3A_205 = vector.shape_cast %add3A_201 : vector<16xi32> to vector<16xi32>
          tpu.vector_store %arg5[%swap3A_202], %swap3A_205 {strides = array<i32>} : memref<128xi32, #tpu.memory_space<vmem>>, vector<16xi32>,
          %dma_start3A_206 = arith.constant 0 : i32
          %dma_start3A_207 = arith.constant 0 : i32
          %dma_start3A_208 = tpu.memref_slice %arg2[%dma_start3A_206, %dma_start3A_207] : memref<2048x128xf32, #tpu.memory_space<hbm>> -> memref<2048x128xf32, #tpu.memory_space<hbm>>
          tpu.enqueue_indirect_dma source(%dma_start3A_208 : memref<2048x128xf32, #tpu.memory_space<hbm>>) target(%arg7 : memref<128x128xf32, #tpu.memory_space<vmem>>) offsets(%arg5 : memref<128xi32, #tpu.memory_space<vmem>>) semaphore(%arg9 : memref<!tpu.dma_semaphore, #tpu.memory_space<semaphore_mem>>)
        }
      } else {
      }
      %clamp3A = arith.constant 0 : i32
      %clamp3A_113 = arith.constant 1 : i32
      %clamp3A_114 = arith.maxsi %rem3A_108, %clamp3A : i32
      %clamp3A_115 = arith.minsi %clamp3A_114, %clamp3A_113 : i32
      %cond3A_116 = arith.constant 0 : i32
      %cond3A_117 = arith.cmpi ne, %clamp3A_115, %cond3A_116 : i32
      scf.if %cond3A_117 {
        %mul3A_119 = arith.constant 128 : i32
        %mul3A_120 = arith.muli %scan3A_105, %mul3A_119 : i32
        %add3A_121 = arith.addi %mul3A_2, %mul3A_120 : i32
        %dma_wait3A = arith.constant 0 : i32
        %dma_wait3A_122 = arith.constant 0 : i32
        %dma_wait3A_123 = tpu.memref_slice %arg2[%dma_wait3A, %dma_wait3A_122] : memref<2048x128xf32, #tpu.memory_space<hbm>> -> memref<2048x128xf32, #tpu.memory_space<hbm>>
        tpu.wait_indirect_dma semaphore(%arg10 : memref<!tpu.dma_semaphore, #tpu.memory_space<semaphore_mem>>) src(%dma_wait3A_123 : memref<2048x128xf32, #tpu.memory_space<hbm>>) dst(%arg8 : memref<128x128xf32, #tpu.memory_space<vmem>>)
        "tpu.region"() ({
          %run_scoped3A = tpu.sem_alloc : memref<!tpu.dma_semaphore, #tpu.memory_space<semaphore_mem>>
          %dma_start3A_124 = arith.constant 0 : i32
          %dma_start3A_125 = tpu.memref_slice %arg4[%add3A_121, %dma_start3A_124] : memref<131072x128xf32, #tpu.memory_space<hbm>> -> memref<128x128xf32, #tpu.memory_space<hbm>>
          %dma_start3A_126 = arith.constant 0 : i32
          %dma_start3A_127 = tpu.memref_slice %arg4[%add3A_121, %dma_start3A_126] : memref<131072x128xf32, #tpu.memory_space<hbm>> -> memref<128x128xf32, #tpu.memory_space<hbm>>
          tpu.enqueue_dma source(%arg8 : memref<128x128xf32, #tpu.memory_space<vmem>>) target(%dma_start3A_127 : memref<128x128xf32, #tpu.memory_space<hbm>>) target_semaphore(%run_scoped3A : memref<!tpu.dma_semaphore, #tpu.memory_space<semaphore_mem>>)
          %dma_wait3A_128 = arith.constant 0 : i32
          %dma_wait3A_129 = tpu.memref_slice %arg4[%add3A_121, %dma_wait3A_128] : memref<131072x128xf32, #tpu.memory_space<hbm>> -> memref<128x128xf32, #tpu.memory_space<hbm>>
          %dma_wait3A_130 = arith.constant 0 : i32
          %dma_wait3A_131 = tpu.memref_slice %arg4[%add3A_121, %dma_wait3A_130] : memref<131072x128xf32, #tpu.memory_space<hbm>> -> memref<128x128xf32, #tpu.memory_space<hbm>>
          tpu.wait_dma2 semaphore(%run_scoped3A : memref<!tpu.dma_semaphore, #tpu.memory_space<semaphore_mem>>) src(%arg8 : memref<128x128xf32, #tpu.memory_space<vmem>>) dst(%dma_wait3A_131 : memref<128x128xf32, #tpu.memory_space<hbm>>)
          tpu.yield
        }) : () -> ()
      } else {
        %mul3A_119 = arith.constant 128 : i32
        %mul3A_120 = arith.muli %scan3A_105, %mul3A_119 : i32
        %add3A_121 = arith.addi %mul3A_2, %mul3A_120 : i32
        %dma_wait3A = arith.constant 0 : i32
        %dma_wait3A_122 = arith.constant 0 : i32
        %dma_wait3A_123 = tpu.memref_slice %arg2[%dma_wait3A, %dma_wait3A_122] : memref<2048x128xf32, #tpu.memory_space<hbm>> -> memref<2048x128xf32, #tpu.memory_space<hbm>>
        tpu.wait_indirect_dma semaphore(%arg9 : memref<!tpu.dma_semaphore, #tpu.memory_space<semaphore_mem>>) src(%dma_wait3A_123 : memref<2048x128xf32, #tpu.memory_space<hbm>>) dst(%arg7 : memref<128x128xf32, #tpu.memory_space<vmem>>)
        "tpu.region"() ({
          %run_scoped3A = tpu.sem_alloc : memref<!tpu.dma_semaphore, #tpu.memory_space<semaphore_mem>>
          %dma_start3A_124 = arith.constant 0 : i32
          %dma_start3A_125 = tpu.memref_slice %arg4[%add3A_121, %dma_start3A_124] : memref<131072x128xf32, #tpu.memory_space<hbm>> -> memref<128x128xf32, #tpu.memory_space<hbm>>
          %dma_start3A_126 = arith.constant 0 : i32
          %dma_start3A_127 = tpu.memref_slice %arg4[%add3A_121, %dma_start3A_126] : memref<131072x128xf32, #tpu.memory_space<hbm>> -> memref<128x128xf32, #tpu.memory_space<hbm>>
          tpu.enqueue_dma source(%arg7 : memref<128x128xf32, #tpu.memory_space<vmem>>) target(%dma_start3A_127 : memref<128x128xf32, #tpu.memory_space<hbm>>) target_semaphore(%run_scoped3A : memref<!tpu.dma_semaphore, #tpu.memory_space<semaphore_mem>>)
          %dma_wait3A_128 = arith.constant 0 : i32
          %dma_wait3A_129 = tpu.memref_slice %arg4[%add3A_121, %dma_wait3A_128] : memref<131072x128xf32, #tpu.memory_space<hbm>> -> memref<128x128xf32, #tpu.memory_space<hbm>>
          %dma_wait3A_130 = arith.constant 0 : i32
          %dma_wait3A_131 = tpu.memref_slice %arg4[%add3A_121, %dma_wait3A_130] : memref<131072x128xf32, #tpu.memory_space<hbm>> -> memref<128x128xf32, #tpu.memory_space<hbm>>
          tpu.wait_dma2 semaphore(%run_scoped3A : memref<!tpu.dma_semaphore, #tpu.memory_space<semaphore_mem>>) src(%arg7 : memref<128x128xf32, #tpu.memory_space<vmem>>) dst(%dma_wait3A_131 : memref<128x128xf32, #tpu.memory_space<hbm>>)
          tpu.yield
        }) : () -> ()
      }
      %scan3A_118 = arith.constant 0 : i32
      scf.yield %scan3A_118 : i32
    }
    %scan3A_104 = arith.constant 32 : i32
    return
  }
}

module attributes {stable_mosaic.version = 14 : i64} {
  func.func @_mlp_body(%arg0: memref<2048x128xf32, #tpu.memory_space<vmem>>, %arg1: memref<128x128xf32, #tpu.memory_space<vmem>>, %arg2: memref<1x128xf32, #tpu.memory_space<vmem>>, %arg3: memref<128x128xf32, #tpu.memory_space<vmem>>, %arg4: memref<1x128xf32, #tpu.memory_space<vmem>>, %arg5: memref<2048x128xf32, #tpu.memory_space<vmem>>) attributes {dimension_semantics = [], scalar_prefetch = 0 : i64, scratch_operands = 0 : i64, tpu.core_type = #tpu.core_type<tc>} {
    %get3A = arith.constant 0 : index
    %get3A_0 = arith.constant 0 : index
    %get3A_1 = vector.load %arg0[%get3A, %get3A_0] : memref<2048x128xf32, #tpu.memory_space<vmem>>, vector<2048x128xf32>
    %get3A_2 = arith.constant 0 : index
    %get3A_3 = arith.constant 0 : index
    %get3A_4 = vector.load %arg1[%get3A_2, %get3A_3] : memref<128x128xf32, #tpu.memory_space<vmem>>, vector<128x128xf32>
    %dot_general3A = arith.constant dense<0.000000e+00> : vector<2048x128xf32>
    %dot_general3A_5 = tpu.matmul %get3A_1, %get3A_4, %dot_general3A {dimension_numbers = #tpu.dot_dimension_numbers<[1], [1], [0], [0], [0, 0, 1, 0], [], []>, transpose_lhs_hint = false} : vector<2048x128xf32>, vector<128x128xf32>, vector<2048x128xf32> -> vector<2048x128xf32>
    %get3A_6 = arith.constant 0 : index
    %get3A_7 = arith.constant 0 : index
    %get3A_8 = vector.load %arg2[%get3A_6, %get3A_7] : memref<1x128xf32, #tpu.memory_space<vmem>>, vector<1x128xf32>
    %add3A = vector.broadcast %get3A_8 : vector<1x128xf32> to vector<2048x128xf32>
    %add3A_9 = arith.addf %dot_general3A_5, %add3A : vector<2048x128xf32>
    %logistic3A = arith.negf %add3A_9 : vector<2048x128xf32>
    %logistic3A_10 = math.exp %logistic3A : vector<2048x128xf32>
    %logistic3A_11 = arith.constant 1.000000e+00 : f32
    %logistic3A_12 = vector.broadcast %logistic3A_11 : f32 to vector<2048x128xf32>
    %logistic3A_13 = arith.addf %logistic3A_12, %logistic3A_10 : vector<2048x128xf32>
    %logistic3A_14 = arith.divf %logistic3A_12, %logistic3A_13 : vector<2048x128xf32>
    %mul3A = arith.mulf %add3A_9, %logistic3A_14 : vector<2048x128xf32>
    %get3A_15 = arith.constant 0 : index
    %get3A_16 = arith.constant 0 : index
    %get3A_17 = vector.load %arg3[%get3A_15, %get3A_16] : memref<128x128xf32, #tpu.memory_space<vmem>>, vector<128x128xf32>
    %dot_general3A_18 = arith.constant dense<0.000000e+00> : vector<2048x128xf32>
    %dot_general3A_19 = tpu.matmul %mul3A, %get3A_17, %dot_general3A_18 {dimension_numbers = #tpu.dot_dimension_numbers<[1], [1], [0], [0], [0, 0, 1, 0], [], []>, transpose_lhs_hint = false} : vector<2048x128xf32>, vector<128x128xf32>, vector<2048x128xf32> -> vector<2048x128xf32>
    %get3A_20 = arith.constant 0 : index
    %get3A_21 = arith.constant 0 : index
    %get3A_22 = vector.load %arg4[%get3A_20, %get3A_21] : memref<1x128xf32, #tpu.memory_space<vmem>>, vector<1x128xf32>
    %add3A_23 = vector.broadcast %get3A_22 : vector<1x128xf32> to vector<2048x128xf32>
    %add3A_24 = arith.addf %dot_general3A_19, %add3A_23 : vector<2048x128xf32>
    %swap3A = arith.constant 0 : index
    %swap3A_25 = arith.constant 0 : index
    %swap3A_26 = vector.load %arg5[%swap3A, %swap3A_25] : memref<2048x128xf32, #tpu.memory_space<vmem>>, vector<2048x128xf32>
    tpu.vector_store %arg5[%swap3A, %swap3A_25], %add3A_24 {strides = array<i32>} : memref<2048x128xf32, #tpu.memory_space<vmem>>, vector<2048x128xf32>,
    return
  }
}

module attributes {stable_mosaic.version = 14 : i64} {
  func.func @_fuse_body(%arg0: i32, %arg1: memref<8192x128xf32, #tpu.memory_space<vmem>>, %arg2: memref<8192x128xf32, #tpu.memory_space<vmem>>, %arg3: memref<1x64x20x128xf32, #tpu.memory_space<vmem>>, %arg4: memref<1x64x128xf32, #tpu.memory_space<vmem>>, %arg5: memref<1x64x128xf32, #tpu.memory_space<vmem>>, %arg6: memref<128x128xf32, #tpu.memory_space<vmem>>, %arg7: memref<128x128xf32, #tpu.memory_space<vmem>>, %arg8: memref<20x128xf32, #tpu.memory_space<vmem>>, %arg9: memref<1x128xf32, #tpu.memory_space<vmem>>, %arg10: memref<128x128xf32, #tpu.memory_space<vmem>>, %arg11: memref<8192x128xf32, #tpu.memory_space<vmem>>, %arg12: memref<128x64x128xf32, #tpu.memory_space<vmem>>) attributes {dimension_semantics = [#tpu.dimension_semantics<arbitrary>], iteration_bounds = array<i64: 16>, scalar_prefetch = 0 : i64, scratch_operands = 1 : i64, tpu.core_type = #tpu.core_type<tc>, window_params = [{transform_indices = @transform_0, window_bounds = array<i64: 8192, 128>}, {transform_indices = @transform_1, window_bounds = array<i64: 8192, 128>}, {transform_indices = @transform_2, window_bounds = array<i64: 1, 64, 20, 128>}, {transform_indices = @transform_3, window_bounds = array<i64: 1, 64, 128>}, {transform_indices = @transform_4, window_bounds = array<i64: 1, 64, 128>}, {transform_indices = @transform_5, window_bounds = array<i64: 128, 128>}, {transform_indices = @transform_6, window_bounds = array<i64: 128, 128>}, {pipeline_mode = #tpu.pipeline_mode<synchronous>, transform_indices = @transform_7, window_bounds = array<i64: 20, 128>}, {pipeline_mode = #tpu.pipeline_mode<synchronous>, transform_indices = @transform_8, window_bounds = array<i64: 1, 128>}, {transform_indices = @transform_9, window_bounds = array<i64: 128, 128>}, {transform_indices = @transform_10, window_bounds = array<i64: 8192, 128>}]} {
    %get3A = arith.constant 0 : index
    %get3A_0 = arith.constant 0 : index
    %get3A_1 = arith.constant 0 : index
    %get3A_2 = arith.constant 0 : index
    %get3A_3 = vector.load %arg3[%get3A, %get3A_0, %get3A_1, %get3A_2] : memref<1x64x20x128xf32, #tpu.memory_space<vmem>>, vector<1x64x20x128xf32>
    %get3A_4 = vector.shape_cast %get3A_3 : vector<1x64x20x128xf32> to vector<64x20x128xf32>
    %reshape3A = vector.shape_cast %get3A_4 : vector<64x20x128xf32> to vector<1280x128xf32>
    %transpose3A = tpu.transpose %reshape3A, [1, 0] : vector<1280x128xf32> -> vector<128x1280xf32>
    %get3A_5 = arith.constant 0 : index
    %get3A_6 = arith.constant 0 : index
    %get3A_7 = vector.load %arg8[%get3A_5, %get3A_6] : memref<20x128xf32, #tpu.memory_space<vmem>>, vector<20x128xf32>
    %get3A_8 = arith.constant 0 : index
    %get3A_9 = arith.constant 0 : index
    %get3A_10 = vector.load %arg9[%get3A_8, %get3A_9] : memref<1x128xf32, #tpu.memory_space<vmem>>, vector<1x128xf32>
    %slice3A = vector.extract_strided_slice %transpose3A {offsets = [0, 0], sizes = [128, 20], strides = [1, 1]} : vector<128x1280xf32> to vector<128x20xf32>
    %dot_general3A = arith.constant dense<0.000000e+00> : vector<128x128xf32>
    %dot_general3A_11 = tpu.matmul %slice3A, %get3A_7, %dot_general3A {dimension_numbers = #tpu.dot_dimension_numbers<[1], [0], [0], [1], [0, 0, 1, 1], [], []>, transpose_lhs_hint = false} : vector<128x20xf32>, vector<20x128xf32>, vector<128x128xf32> -> vector<128x128xf32>
    %add3A = vector.broadcast %get3A_10 : vector<1x128xf32> to vector<128x128xf32>
    %add3A_12 = arith.addf %dot_general3A_11, %add3A : vector<128x128xf32>
    %swap3A = arith.constant 0 : index
    %swap3A_13 = arith.constant 0 : index
    %swap3A_14 = arith.constant 0 : index
    %swap3A_15 = vector.load %arg12[%swap3A, %swap3A_13, %swap3A_14] : memref<128x64x128xf32, #tpu.memory_space<vmem>>, vector<128x1x128xf32>
    %swap3A_16 = vector.shape_cast %swap3A_15 : vector<128x1x128xf32> to vector<128x128xf32>
    %swap3A_17 = vector.shape_cast %add3A_12 : vector<128x128xf32> to vector<128x1x128xf32>
    tpu.vector_store %arg12[%swap3A, %swap3A_13, %swap3A_14], %swap3A_17 {strides = array<i32>} : memref<128x64x128xf32, #tpu.memory_space<vmem>>, vector<128x1x128xf32>,
    %slice3A_18 = vector.extract_strided_slice %transpose3A {offsets = [0, 20], sizes = [128, 20], strides = [1, 1]} : vector<128x1280xf32> to vector<128x20xf32>
    %dot_general3A_19 = arith.constant dense<0.000000e+00> : vector<128x128xf32>
    %dot_general3A_20 = tpu.matmul %slice3A_18, %get3A_7, %dot_general3A_19 {dimension_numbers = #tpu.dot_dimension_numbers<[1], [0], [0], [1], [0, 0, 1, 1], [], []>, transpose_lhs_hint = false} : vector<128x20xf32>, vector<20x128xf32>, vector<128x128xf32> -> vector<128x128xf32>
    %add3A_21 = vector.broadcast %get3A_10 : vector<1x128xf32> to vector<128x128xf32>
    %add3A_22 = arith.addf %dot_general3A_20, %add3A_21 : vector<128x128xf32>
    %swap3A_23 = arith.constant 0 : index
    %swap3A_24 = arith.constant 1 : index
    %swap3A_25 = arith.constant 0 : index
    %swap3A_26 = vector.load %arg12[%swap3A_23, %swap3A_24, %swap3A_25] : memref<128x64x128xf32, #tpu.memory_space<vmem>>, vector<128x1x128xf32>
    %swap3A_27 = vector.shape_cast %swap3A_26 : vector<128x1x128xf32> to vector<128x128xf32>
    %swap3A_28 = vector.shape_cast %add3A_22 : vector<128x128xf32> to vector<128x1x128xf32>
    tpu.vector_store %arg12[%swap3A_23, %swap3A_24, %swap3A_25], %swap3A_28 {strides = array<i32>} : memref<128x64x128xf32, #tpu.memory_space<vmem>>, vector<128x1x128xf32>,
    %slice3A_29 = vector.extract_strided_slice %transpose3A {offsets = [0, 40], sizes = [128, 20], strides = [1, 1]} : vector<128x1280xf32> to vector<128x20xf32>
    %dot_general3A_30 = arith.constant dense<0.000000e+00> : vector<128x128xf32>
    %dot_general3A_31 = tpu.matmul %slice3A_29, %get3A_7, %dot_general3A_30 {dimension_numbers = #tpu.dot_dimension_numbers<[1], [0], [0], [1], [0, 0, 1, 1], [], []>, transpose_lhs_hint = false} : vector<128x20xf32>, vector<20x128xf32>, vector<128x128xf32> -> vector<128x128xf32>
    %add3A_32 = vector.broadcast %get3A_10 : vector<1x128xf32> to vector<128x128xf32>
    %add3A_33 = arith.addf %dot_general3A_31, %add3A_32 : vector<128x128xf32>
    %swap3A_34 = arith.constant 0 : index
    %swap3A_35 = arith.constant 2 : index
    %swap3A_36 = arith.constant 0 : index
    %swap3A_37 = vector.load %arg12[%swap3A_34, %swap3A_35, %swap3A_36] : memref<128x64x128xf32, #tpu.memory_space<vmem>>, vector<128x1x128xf32>
    %swap3A_38 = vector.shape_cast %swap3A_37 : vector<128x1x128xf32> to vector<128x128xf32>
    %swap3A_39 = vector.shape_cast %add3A_33 : vector<128x128xf32> to vector<128x1x128xf32>
    tpu.vector_store %arg12[%swap3A_34, %swap3A_35, %swap3A_36], %swap3A_39 {strides = array<i32>} : memref<128x64x128xf32, #tpu.memory_space<vmem>>, vector<128x1x128xf32>,
    %slice3A_40 = vector.extract_strided_slice %transpose3A {offsets = [0, 60], sizes = [128, 20], strides = [1, 1]} : vector<128x1280xf32> to vector<128x20xf32>
    %dot_general3A_41 = arith.constant dense<0.000000e+00> : vector<128x128xf32>
    %dot_general3A_42 = tpu.matmul %slice3A_40, %get3A_7, %dot_general3A_41 {dimension_numbers = #tpu.dot_dimension_numbers<[1], [0], [0], [1], [0, 0, 1, 1], [], []>, transpose_lhs_hint = false} : vector<128x20xf32>, vector<20x128xf32>, vector<128x128xf32> -> vector<128x128xf32>
    %add3A_43 = vector.broadcast %get3A_10 : vector<1x128xf32> to vector<128x128xf32>
    %add3A_44 = arith.addf %dot_general3A_42, %add3A_43 : vector<128x128xf32>
    %swap3A_45 = arith.constant 0 : index
    %swap3A_46 = arith.constant 3 : index
    %swap3A_47 = arith.constant 0 : index
    %swap3A_48 = vector.load %arg12[%swap3A_45, %swap3A_46, %swap3A_47] : memref<128x64x128xf32, #tpu.memory_space<vmem>>, vector<128x1x128xf32>
    %swap3A_49 = vector.shape_cast %swap3A_48 : vector<128x1x128xf32> to vector<128x128xf32>
    %swap3A_50 = vector.shape_cast %add3A_44 : vector<128x128xf32> to vector<128x1x128xf32>
    tpu.vector_store %arg12[%swap3A_45, %swap3A_46, %swap3A_47], %swap3A_50 {strides = array<i32>} : memref<128x64x128xf32, #tpu.memory_space<vmem>>, vector<128x1x128xf32>,
    %slice3A_51 = vector.extract_strided_slice %transpose3A {offsets = [0, 80], sizes = [128, 20], strides = [1, 1]} : vector<128x1280xf32> to vector<128x20xf32>
    %dot_general3A_52 = arith.constant dense<0.000000e+00> : vector<128x128xf32>
    %dot_general3A_53 = tpu.matmul %slice3A_51, %get3A_7, %dot_general3A_52 {dimension_numbers = #tpu.dot_dimension_numbers<[1], [0], [0], [1], [0, 0, 1, 1], [], []>, transpose_lhs_hint = false} : vector<128x20xf32>, vector<20x128xf32>, vector<128x128xf32> -> vector<128x128xf32>
    %add3A_54 = vector.broadcast %get3A_10 : vector<1x128xf32> to vector<128x128xf32>
    %add3A_55 = arith.addf %dot_general3A_53, %add3A_54 : vector<128x128xf32>
    %swap3A_56 = arith.constant 0 : index
    %swap3A_57 = arith.constant 4 : index
    %swap3A_58 = arith.constant 0 : index
    %swap3A_59 = vector.load %arg12[%swap3A_56, %swap3A_57, %swap3A_58] : memref<128x64x128xf32, #tpu.memory_space<vmem>>, vector<128x1x128xf32>
    %swap3A_60 = vector.shape_cast %swap3A_59 : vector<128x1x128xf32> to vector<128x128xf32>
    %swap3A_61 = vector.shape_cast %add3A_55 : vector<128x128xf32> to vector<128x1x128xf32>
    tpu.vector_store %arg12[%swap3A_56, %swap3A_57, %swap3A_58], %swap3A_61 {strides = array<i32>} : memref<128x64x128xf32, #tpu.memory_space<vmem>>, vector<128x1x128xf32>,
    %slice3A_62 = vector.extract_strided_slice %transpose3A {offsets = [0, 100], sizes = [128, 20], strides = [1, 1]} : vector<128x1280xf32> to vector<128x20xf32>
    %dot_general3A_63 = arith.constant dense<0.000000e+00> : vector<128x128xf32>
    %dot_general3A_64 = tpu.matmul %slice3A_62, %get3A_7, %dot_general3A_63 {dimension_numbers = #tpu.dot_dimension_numbers<[1], [0], [0], [1], [0, 0, 1, 1], [], []>, transpose_lhs_hint = false} : vector<128x20xf32>, vector<20x128xf32>, vector<128x128xf32> -> vector<128x128xf32>
    %add3A_65 = vector.broadcast %get3A_10 : vector<1x128xf32> to vector<128x128xf32>
    %add3A_66 = arith.addf %dot_general3A_64, %add3A_65 : vector<128x128xf32>
    %swap3A_67 = arith.constant 0 : index
    %swap3A_68 = arith.constant 5 : index
    %swap3A_69 = arith.constant 0 : index
    %swap3A_70 = vector.load %arg12[%swap3A_67, %swap3A_68, %swap3A_69] : memref<128x64x128xf32, #tpu.memory_space<vmem>>, vector<128x1x128xf32>
    %swap3A_71 = vector.shape_cast %swap3A_70 : vector<128x1x128xf32> to vector<128x128xf32>
    %swap3A_72 = vector.shape_cast %add3A_66 : vector<128x128xf32> to vector<128x1x128xf32>
    tpu.vector_store %arg12[%swap3A_67, %swap3A_68, %swap3A_69], %swap3A_72 {strides = array<i32>} : memref<128x64x128xf32, #tpu.memory_space<vmem>>, vector<128x1x128xf32>,
    %slice3A_73 = vector.extract_strided_slice %transpose3A {offsets = [0, 120], sizes = [128, 20], strides = [1, 1]} : vector<128x1280xf32> to vector<128x20xf32>
    %dot_general3A_74 = arith.constant dense<0.000000e+00> : vector<128x128xf32>
    %dot_general3A_75 = tpu.matmul %slice3A_73, %get3A_7, %dot_general3A_74 {dimension_numbers = #tpu.dot_dimension_numbers<[1], [0], [0], [1], [0, 0, 1, 1], [], []>, transpose_lhs_hint = false} : vector<128x20xf32>, vector<20x128xf32>, vector<128x128xf32> -> vector<128x128xf32>
    %add3A_76 = vector.broadcast %get3A_10 : vector<1x128xf32> to vector<128x128xf32>
    %add3A_77 = arith.addf %dot_general3A_75, %add3A_76 : vector<128x128xf32>
    %swap3A_78 = arith.constant 0 : index
    %swap3A_79 = arith.constant 6 : index
    %swap3A_80 = arith.constant 0 : index
    %swap3A_81 = vector.load %arg12[%swap3A_78, %swap3A_79, %swap3A_80] : memref<128x64x128xf32, #tpu.memory_space<vmem>>, vector<128x1x128xf32>
    %swap3A_82 = vector.shape_cast %swap3A_81 : vector<128x1x128xf32> to vector<128x128xf32>
    %swap3A_83 = vector.shape_cast %add3A_77 : vector<128x128xf32> to vector<128x1x128xf32>
    tpu.vector_store %arg12[%swap3A_78, %swap3A_79, %swap3A_80], %swap3A_83 {strides = array<i32>} : memref<128x64x128xf32, #tpu.memory_space<vmem>>, vector<128x1x128xf32>,
    %slice3A_84 = vector.extract_strided_slice %transpose3A {offsets = [0, 140], sizes = [128, 20], strides = [1, 1]} : vector<128x1280xf32> to vector<128x20xf32>
    %dot_general3A_85 = arith.constant dense<0.000000e+00> : vector<128x128xf32>
    %dot_general3A_86 = tpu.matmul %slice3A_84, %get3A_7, %dot_general3A_85 {dimension_numbers = #tpu.dot_dimension_numbers<[1], [0], [0], [1], [0, 0, 1, 1], [], []>, transpose_lhs_hint = false} : vector<128x20xf32>, vector<20x128xf32>, vector<128x128xf32> -> vector<128x128xf32>
    %add3A_87 = vector.broadcast %get3A_10 : vector<1x128xf32> to vector<128x128xf32>
    %add3A_88 = arith.addf %dot_general3A_86, %add3A_87 : vector<128x128xf32>
    %swap3A_89 = arith.constant 0 : index
    %swap3A_90 = arith.constant 7 : index
    %swap3A_91 = arith.constant 0 : index
    %swap3A_92 = vector.load %arg12[%swap3A_89, %swap3A_90, %swap3A_91] : memref<128x64x128xf32, #tpu.memory_space<vmem>>, vector<128x1x128xf32>
    %swap3A_93 = vector.shape_cast %swap3A_92 : vector<128x1x128xf32> to vector<128x128xf32>
    %swap3A_94 = vector.shape_cast %add3A_88 : vector<128x128xf32> to vector<128x1x128xf32>
    tpu.vector_store %arg12[%swap3A_89, %swap3A_90, %swap3A_91], %swap3A_94 {strides = array<i32>} : memref<128x64x128xf32, #tpu.memory_space<vmem>>, vector<128x1x128xf32>,
    %slice3A_95 = vector.extract_strided_slice %transpose3A {offsets = [0, 160], sizes = [128, 20], strides = [1, 1]} : vector<128x1280xf32> to vector<128x20xf32>
    %dot_general3A_96 = arith.constant dense<0.000000e+00> : vector<128x128xf32>
    %dot_general3A_97 = tpu.matmul %slice3A_95, %get3A_7, %dot_general3A_96 {dimension_numbers = #tpu.dot_dimension_numbers<[1], [0], [0], [1], [0, 0, 1, 1], [], []>, transpose_lhs_hint = false} : vector<128x20xf32>, vector<20x128xf32>, vector<128x128xf32> -> vector<128x128xf32>
    %add3A_98 = vector.broadcast %get3A_10 : vector<1x128xf32> to vector<128x128xf32>
    %add3A_99 = arith.addf %dot_general3A_97, %add3A_98 : vector<128x128xf32>
    %swap3A_100 = arith.constant 0 : index
    %swap3A_101 = arith.constant 8 : index
    %swap3A_102 = arith.constant 0 : index
    %swap3A_103 = vector.load %arg12[%swap3A_100, %swap3A_101, %swap3A_102] : memref<128x64x128xf32, #tpu.memory_space<vmem>>, vector<128x1x128xf32>
    %swap3A_104 = vector.shape_cast %swap3A_103 : vector<128x1x128xf32> to vector<128x128xf32>
    %swap3A_105 = vector.shape_cast %add3A_99 : vector<128x128xf32> to vector<128x1x128xf32>
    tpu.vector_store %arg12[%swap3A_100, %swap3A_101, %swap3A_102], %swap3A_105 {strides = array<i32>} : memref<128x64x128xf32, #tpu.memory_space<vmem>>, vector<128x1x128xf32>,
    %slice3A_106 = vector.extract_strided_slice %transpose3A {offsets = [0, 180], sizes = [128, 20], strides = [1, 1]} : vector<128x1280xf32> to vector<128x20xf32>
    %dot_general3A_107 = arith.constant dense<0.000000e+00> : vector<128x128xf32>
    %dot_general3A_108 = tpu.matmul %slice3A_106, %get3A_7, %dot_general3A_107 {dimension_numbers = #tpu.dot_dimension_numbers<[1], [0], [0], [1], [0, 0, 1, 1], [], []>, transpose_lhs_hint = false} : vector<128x20xf32>, vector<20x128xf32>, vector<128x128xf32> -> vector<128x128xf32>
    %add3A_109 = vector.broadcast %get3A_10 : vector<1x128xf32> to vector<128x128xf32>
    %add3A_110 = arith.addf %dot_general3A_108, %add3A_109 : vector<128x128xf32>
    %swap3A_111 = arith.constant 0 : index
    %swap3A_112 = arith.constant 9 : index
    %swap3A_113 = arith.constant 0 : index
    %swap3A_114 = vector.load %arg12[%swap3A_111, %swap3A_112, %swap3A_113] : memref<128x64x128xf32, #tpu.memory_space<vmem>>, vector<128x1x128xf32>
    %swap3A_115 = vector.shape_cast %swap3A_114 : vector<128x1x128xf32> to vector<128x128xf32>
    %swap3A_116 = vector.shape_cast %add3A_110 : vector<128x128xf32> to vector<128x1x128xf32>
    tpu.vector_store %arg12[%swap3A_111, %swap3A_112, %swap3A_113], %swap3A_116 {strides = array<i32>} : memref<128x64x128xf32, #tpu.memory_space<vmem>>, vector<128x1x128xf32>,
    %slice3A_117 = vector.extract_strided_slice %transpose3A {offsets = [0, 200], sizes = [128, 20], strides = [1, 1]} : vector<128x1280xf32> to vector<128x20xf32>
    %dot_general3A_118 = arith.constant dense<0.000000e+00> : vector<128x128xf32>
    %dot_general3A_119 = tpu.matmul %slice3A_117, %get3A_7, %dot_general3A_118 {dimension_numbers = #tpu.dot_dimension_numbers<[1], [0], [0], [1], [0, 0, 1, 1], [], []>, transpose_lhs_hint = false} : vector<128x20xf32>, vector<20x128xf32>, vector<128x128xf32> -> vector<128x128xf32>
    %add3A_120 = vector.broadcast %get3A_10 : vector<1x128xf32> to vector<128x128xf32>
    %add3A_121 = arith.addf %dot_general3A_119, %add3A_120 : vector<128x128xf32>
    %swap3A_122 = arith.constant 0 : index
    %swap3A_123 = arith.constant 10 : index
    %swap3A_124 = arith.constant 0 : index
    %swap3A_125 = vector.load %arg12[%swap3A_122, %swap3A_123, %swap3A_124] : memref<128x64x128xf32, #tpu.memory_space<vmem>>, vector<128x1x128xf32>
    %swap3A_126 = vector.shape_cast %swap3A_125 : vector<128x1x128xf32> to vector<128x128xf32>
    %swap3A_127 = vector.shape_cast %add3A_121 : vector<128x128xf32> to vector<128x1x128xf32>
    tpu.vector_store %arg12[%swap3A_122, %swap3A_123, %swap3A_124], %swap3A_127 {strides = array<i32>} : memref<128x64x128xf32, #tpu.memory_space<vmem>>, vector<128x1x128xf32>,
    %slice3A_128 = vector.extract_strided_slice %transpose3A {offsets = [0, 220], sizes = [128, 20], strides = [1, 1]} : vector<128x1280xf32> to vector<128x20xf32>
    %dot_general3A_129 = arith.constant dense<0.000000e+00> : vector<128x128xf32>
    %dot_general3A_130 = tpu.matmul %slice3A_128, %get3A_7, %dot_general3A_129 {dimension_numbers = #tpu.dot_dimension_numbers<[1], [0], [0], [1], [0, 0, 1, 1], [], []>, transpose_lhs_hint = false} : vector<128x20xf32>, vector<20x128xf32>, vector<128x128xf32> -> vector<128x128xf32>
    %add3A_131 = vector.broadcast %get3A_10 : vector<1x128xf32> to vector<128x128xf32>
    %add3A_132 = arith.addf %dot_general3A_130, %add3A_131 : vector<128x128xf32>
    %swap3A_133 = arith.constant 0 : index
    %swap3A_134 = arith.constant 11 : index
    %swap3A_135 = arith.constant 0 : index
    %swap3A_136 = vector.load %arg12[%swap3A_133, %swap3A_134, %swap3A_135] : memref<128x64x128xf32, #tpu.memory_space<vmem>>, vector<128x1x128xf32>
    %swap3A_137 = vector.shape_cast %swap3A_136 : vector<128x1x128xf32> to vector<128x128xf32>
    %swap3A_138 = vector.shape_cast %add3A_132 : vector<128x128xf32> to vector<128x1x128xf32>
    tpu.vector_store %arg12[%swap3A_133, %swap3A_134, %swap3A_135], %swap3A_138 {strides = array<i32>} : memref<128x64x128xf32, #tpu.memory_space<vmem>>, vector<128x1x128xf32>,
    %slice3A_139 = vector.extract_strided_slice %transpose3A {offsets = [0, 240], sizes = [128, 20], strides = [1, 1]} : vector<128x1280xf32> to vector<128x20xf32>
    %dot_general3A_140 = arith.constant dense<0.000000e+00> : vector<128x128xf32>
    %dot_general3A_141 = tpu.matmul %slice3A_139, %get3A_7, %dot_general3A_140 {dimension_numbers = #tpu.dot_dimension_numbers<[1], [0], [0], [1], [0, 0, 1, 1], [], []>, transpose_lhs_hint = false} : vector<128x20xf32>, vector<20x128xf32>, vector<128x128xf32> -> vector<128x128xf32>
    %add3A_142 = vector.broadcast %get3A_10 : vector<1x128xf32> to vector<128x128xf32>
    %add3A_143 = arith.addf %dot_general3A_141, %add3A_142 : vector<128x128xf32>
    %swap3A_144 = arith.constant 0 : index
    %swap3A_145 = arith.constant 12 : index
    %swap3A_146 = arith.constant 0 : index
    %swap3A_147 = vector.load %arg12[%swap3A_144, %swap3A_145, %swap3A_146] : memref<128x64x128xf32, #tpu.memory_space<vmem>>, vector<128x1x128xf32>
    %swap3A_148 = vector.shape_cast %swap3A_147 : vector<128x1x128xf32> to vector<128x128xf32>
    %swap3A_149 = vector.shape_cast %add3A_143 : vector<128x128xf32> to vector<128x1x128xf32>
    tpu.vector_store %arg12[%swap3A_144, %swap3A_145, %swap3A_146], %swap3A_149 {strides = array<i32>} : memref<128x64x128xf32, #tpu.memory_space<vmem>>, vector<128x1x128xf32>,
    %slice3A_150 = vector.extract_strided_slice %transpose3A {offsets = [0, 260], sizes = [128, 20], strides = [1, 1]} : vector<128x1280xf32> to vector<128x20xf32>
    %dot_general3A_151 = arith.constant dense<0.000000e+00> : vector<128x128xf32>
    %dot_general3A_152 = tpu.matmul %slice3A_150, %get3A_7, %dot_general3A_151 {dimension_numbers = #tpu.dot_dimension_numbers<[1], [0], [0], [1], [0, 0, 1, 1], [], []>, transpose_lhs_hint = false} : vector<128x20xf32>, vector<20x128xf32>, vector<128x128xf32> -> vector<128x128xf32>
    %add3A_153 = vector.broadcast %get3A_10 : vector<1x128xf32> to vector<128x128xf32>
    %add3A_154 = arith.addf %dot_general3A_152, %add3A_153 : vector<128x128xf32>
    %swap3A_155 = arith.constant 0 : index
    %swap3A_156 = arith.constant 13 : index
    %swap3A_157 = arith.constant 0 : index
    %swap3A_158 = vector.load %arg12[%swap3A_155, %swap3A_156, %swap3A_157] : memref<128x64x128xf32, #tpu.memory_space<vmem>>, vector<128x1x128xf32>
    %swap3A_159 = vector.shape_cast %swap3A_158 : vector<128x1x128xf32> to vector<128x128xf32>
    %swap3A_160 = vector.shape_cast %add3A_154 : vector<128x128xf32> to vector<128x1x128xf32>
    tpu.vector_store %arg12[%swap3A_155, %swap3A_156, %swap3A_157], %swap3A_160 {strides = array<i32>} : memref<128x64x128xf32, #tpu.memory_space<vmem>>, vector<128x1x128xf32>,
    %slice3A_161 = vector.extract_strided_slice %transpose3A {offsets = [0, 280], sizes = [128, 20], strides = [1, 1]} : vector<128x1280xf32> to vector<128x20xf32>
    %dot_general3A_162 = arith.constant dense<0.000000e+00> : vector<128x128xf32>
    %dot_general3A_163 = tpu.matmul %slice3A_161, %get3A_7, %dot_general3A_162 {dimension_numbers = #tpu.dot_dimension_numbers<[1], [0], [0], [1], [0, 0, 1, 1], [], []>, transpose_lhs_hint = false} : vector<128x20xf32>, vector<20x128xf32>, vector<128x128xf32> -> vector<128x128xf32>
    %add3A_164 = vector.broadcast %get3A_10 : vector<1x128xf32> to vector<128x128xf32>
    %add3A_165 = arith.addf %dot_general3A_163, %add3A_164 : vector<128x128xf32>
    %swap3A_166 = arith.constant 0 : index
    %swap3A_167 = arith.constant 14 : index
    %swap3A_168 = arith.constant 0 : index
    %swap3A_169 = vector.load %arg12[%swap3A_166, %swap3A_167, %swap3A_168] : memref<128x64x128xf32, #tpu.memory_space<vmem>>, vector<128x1x128xf32>
    %swap3A_170 = vector.shape_cast %swap3A_169 : vector<128x1x128xf32> to vector<128x128xf32>
    %swap3A_171 = vector.shape_cast %add3A_165 : vector<128x128xf32> to vector<128x1x128xf32>
    tpu.vector_store %arg12[%swap3A_166, %swap3A_167, %swap3A_168], %swap3A_171 {strides = array<i32>} : memref<128x64x128xf32, #tpu.memory_space<vmem>>, vector<128x1x128xf32>,
    %slice3A_172 = vector.extract_strided_slice %transpose3A {offsets = [0, 300], sizes = [128, 20], strides = [1, 1]} : vector<128x1280xf32> to vector<128x20xf32>
    %dot_general3A_173 = arith.constant dense<0.000000e+00> : vector<128x128xf32>
    %dot_general3A_174 = tpu.matmul %slice3A_172, %get3A_7, %dot_general3A_173 {dimension_numbers = #tpu.dot_dimension_numbers<[1], [0], [0], [1], [0, 0, 1, 1], [], []>, transpose_lhs_hint = false} : vector<128x20xf32>, vector<20x128xf32>, vector<128x128xf32> -> vector<128x128xf32>
    %add3A_175 = vector.broadcast %get3A_10 : vector<1x128xf32> to vector<128x128xf32>
    %add3A_176 = arith.addf %dot_general3A_174, %add3A_175 : vector<128x128xf32>
    %swap3A_177 = arith.constant 0 : index
    %swap3A_178 = arith.constant 15 : index
    %swap3A_179 = arith.constant 0 : index
    %swap3A_180 = vector.load %arg12[%swap3A_177, %swap3A_178, %swap3A_179] : memref<128x64x128xf32, #tpu.memory_space<vmem>>, vector<128x1x128xf32>
    %swap3A_181 = vector.shape_cast %swap3A_180 : vector<128x1x128xf32> to vector<128x128xf32>
    %swap3A_182 = vector.shape_cast %add3A_176 : vector<128x128xf32> to vector<128x1x128xf32>
    tpu.vector_store %arg12[%swap3A_177, %swap3A_178, %swap3A_179], %swap3A_182 {strides = array<i32>} : memref<128x64x128xf32, #tpu.memory_space<vmem>>, vector<128x1x128xf32>,
    %slice3A_183 = vector.extract_strided_slice %transpose3A {offsets = [0, 320], sizes = [128, 20], strides = [1, 1]} : vector<128x1280xf32> to vector<128x20xf32>
    %dot_general3A_184 = arith.constant dense<0.000000e+00> : vector<128x128xf32>
    %dot_general3A_185 = tpu.matmul %slice3A_183, %get3A_7, %dot_general3A_184 {dimension_numbers = #tpu.dot_dimension_numbers<[1], [0], [0], [1], [0, 0, 1, 1], [], []>, transpose_lhs_hint = false} : vector<128x20xf32>, vector<20x128xf32>, vector<128x128xf32> -> vector<128x128xf32>
    %add3A_186 = vector.broadcast %get3A_10 : vector<1x128xf32> to vector<128x128xf32>
    %add3A_187 = arith.addf %dot_general3A_185, %add3A_186 : vector<128x128xf32>
    %swap3A_188 = arith.constant 0 : index
    %swap3A_189 = arith.constant 16 : index
    %swap3A_190 = arith.constant 0 : index
    %swap3A_191 = vector.load %arg12[%swap3A_188, %swap3A_189, %swap3A_190] : memref<128x64x128xf32, #tpu.memory_space<vmem>>, vector<128x1x128xf32>
    %swap3A_192 = vector.shape_cast %swap3A_191 : vector<128x1x128xf32> to vector<128x128xf32>
    %swap3A_193 = vector.shape_cast %add3A_187 : vector<128x128xf32> to vector<128x1x128xf32>
    tpu.vector_store %arg12[%swap3A_188, %swap3A_189, %swap3A_190], %swap3A_193 {strides = array<i32>} : memref<128x64x128xf32, #tpu.memory_space<vmem>>, vector<128x1x128xf32>,
    %slice3A_194 = vector.extract_strided_slice %transpose3A {offsets = [0, 340], sizes = [128, 20], strides = [1, 1]} : vector<128x1280xf32> to vector<128x20xf32>
    %dot_general3A_195 = arith.constant dense<0.000000e+00> : vector<128x128xf32>
    %dot_general3A_196 = tpu.matmul %slice3A_194, %get3A_7, %dot_general3A_195 {dimension_numbers = #tpu.dot_dimension_numbers<[1], [0], [0], [1], [0, 0, 1, 1], [], []>, transpose_lhs_hint = false} : vector<128x20xf32>, vector<20x128xf32>, vector<128x128xf32> -> vector<128x128xf32>
    %add3A_197 = vector.broadcast %get3A_10 : vector<1x128xf32> to vector<128x128xf32>
    %add3A_198 = arith.addf %dot_general3A_196, %add3A_197 : vector<128x128xf32>
    %swap3A_199 = arith.constant 0 : index
    %swap3A_200 = arith.constant 17 : index
    %swap3A_201 = arith.constant 0 : index
    %swap3A_202 = vector.load %arg12[%swap3A_199, %swap3A_200, %swap3A_201] : memref<128x64x128xf32, #tpu.memory_space<vmem>>, vector<128x1x128xf32>
    %swap3A_203 = vector.shape_cast %swap3A_202 : vector<128x1x128xf32> to vector<128x128xf32>
    %swap3A_204 = vector.shape_cast %add3A_198 : vector<128x128xf32> to vector<128x1x128xf32>
    tpu.vector_store %arg12[%swap3A_199, %swap3A_200, %swap3A_201], %swap3A_204 {strides = array<i32>} : memref<128x64x128xf32, #tpu.memory_space<vmem>>, vector<128x1x128xf32>,
    %slice3A_205 = vector.extract_strided_slice %transpose3A {offsets = [0, 360], sizes = [128, 20], strides = [1, 1]} : vector<128x1280xf32> to vector<128x20xf32>
    %dot_general3A_206 = arith.constant dense<0.000000e+00> : vector<128x128xf32>
    %dot_general3A_207 = tpu.matmul %slice3A_205, %get3A_7, %dot_general3A_206 {dimension_numbers = #tpu.dot_dimension_numbers<[1], [0], [0], [1], [0, 0, 1, 1], [], []>, transpose_lhs_hint = false} : vector<128x20xf32>, vector<20x128xf32>, vector<128x128xf32> -> vector<128x128xf32>
    %add3A_208 = vector.broadcast %get3A_10 : vector<1x128xf32> to vector<128x128xf32>
    %add3A_209 = arith.addf %dot_general3A_207, %add3A_208 : vector<128x128xf32>
    %swap3A_210 = arith.constant 0 : index
    %swap3A_211 = arith.constant 18 : index
    %swap3A_212 = arith.constant 0 : index
    %swap3A_213 = vector.load %arg12[%swap3A_210, %swap3A_211, %swap3A_212] : memref<128x64x128xf32, #tpu.memory_space<vmem>>, vector<128x1x128xf32>
    %swap3A_214 = vector.shape_cast %swap3A_213 : vector<128x1x128xf32> to vector<128x128xf32>
    %swap3A_215 = vector.shape_cast %add3A_209 : vector<128x128xf32> to vector<128x1x128xf32>
    tpu.vector_store %arg12[%swap3A_210, %swap3A_211, %swap3A_212], %swap3A_215 {strides = array<i32>} : memref<128x64x128xf32, #tpu.memory_space<vmem>>, vector<128x1x128xf32>,
    %slice3A_216 = vector.extract_strided_slice %transpose3A {offsets = [0, 380], sizes = [128, 20], strides = [1, 1]} : vector<128x1280xf32> to vector<128x20xf32>
    %dot_general3A_217 = arith.constant dense<0.000000e+00> : vector<128x128xf32>
    %dot_general3A_218 = tpu.matmul %slice3A_216, %get3A_7, %dot_general3A_217 {dimension_numbers = #tpu.dot_dimension_numbers<[1], [0], [0], [1], [0, 0, 1, 1], [], []>, transpose_lhs_hint = false} : vector<128x20xf32>, vector<20x128xf32>, vector<128x128xf32> -> vector<128x128xf32>
    %add3A_219 = vector.broadcast %get3A_10 : vector<1x128xf32> to vector<128x128xf32>
    %add3A_220 = arith.addf %dot_general3A_218, %add3A_219 : vector<128x128xf32>
    %swap3A_221 = arith.constant 0 : index
    %swap3A_222 = arith.constant 19 : index
    %swap3A_223 = arith.constant 0 : index
    %swap3A_224 = vector.load %arg12[%swap3A_221, %swap3A_222, %swap3A_223] : memref<128x64x128xf32, #tpu.memory_space<vmem>>, vector<128x1x128xf32>
    %swap3A_225 = vector.shape_cast %swap3A_224 : vector<128x1x128xf32> to vector<128x128xf32>
    %swap3A_226 = vector.shape_cast %add3A_220 : vector<128x128xf32> to vector<128x1x128xf32>
    tpu.vector_store %arg12[%swap3A_221, %swap3A_222, %swap3A_223], %swap3A_226 {strides = array<i32>} : memref<128x64x128xf32, #tpu.memory_space<vmem>>, vector<128x1x128xf32>,
    %slice3A_227 = vector.extract_strided_slice %transpose3A {offsets = [0, 400], sizes = [128, 20], strides = [1, 1]} : vector<128x1280xf32> to vector<128x20xf32>
    %dot_general3A_228 = arith.constant dense<0.000000e+00> : vector<128x128xf32>
    %dot_general3A_229 = tpu.matmul %slice3A_227, %get3A_7, %dot_general3A_228 {dimension_numbers = #tpu.dot_dimension_numbers<[1], [0], [0], [1], [0, 0, 1, 1], [], []>, transpose_lhs_hint = false} : vector<128x20xf32>, vector<20x128xf32>, vector<128x128xf32> -> vector<128x128xf32>
    %add3A_230 = vector.broadcast %get3A_10 : vector<1x128xf32> to vector<128x128xf32>
    %add3A_231 = arith.addf %dot_general3A_229, %add3A_230 : vector<128x128xf32>
    %swap3A_232 = arith.constant 0 : index
    %swap3A_233 = arith.constant 20 : index
    %swap3A_234 = arith.constant 0 : index
    %swap3A_235 = vector.load %arg12[%swap3A_232, %swap3A_233, %swap3A_234] : memref<128x64x128xf32, #tpu.memory_space<vmem>>, vector<128x1x128xf32>
    %swap3A_236 = vector.shape_cast %swap3A_235 : vector<128x1x128xf32> to vector<128x128xf32>
    %swap3A_237 = vector.shape_cast %add3A_231 : vector<128x128xf32> to vector<128x1x128xf32>
    tpu.vector_store %arg12[%swap3A_232, %swap3A_233, %swap3A_234], %swap3A_237 {strides = array<i32>} : memref<128x64x128xf32, #tpu.memory_space<vmem>>, vector<128x1x128xf32>,
    %slice3A_238 = vector.extract_strided_slice %transpose3A {offsets = [0, 420], sizes = [128, 20], strides = [1, 1]} : vector<128x1280xf32> to vector<128x20xf32>
    %dot_general3A_239 = arith.constant dense<0.000000e+00> : vector<128x128xf32>
    %dot_general3A_240 = tpu.matmul %slice3A_238, %get3A_7, %dot_general3A_239 {dimension_numbers = #tpu.dot_dimension_numbers<[1], [0], [0], [1], [0, 0, 1, 1], [], []>, transpose_lhs_hint = false} : vector<128x20xf32>, vector<20x128xf32>, vector<128x128xf32> -> vector<128x128xf32>
    %add3A_241 = vector.broadcast %get3A_10 : vector<1x128xf32> to vector<128x128xf32>
    %add3A_242 = arith.addf %dot_general3A_240, %add3A_241 : vector<128x128xf32>
    %swap3A_243 = arith.constant 0 : index
    %swap3A_244 = arith.constant 21 : index
    %swap3A_245 = arith.constant 0 : index
    %swap3A_246 = vector.load %arg12[%swap3A_243, %swap3A_244, %swap3A_245] : memref<128x64x128xf32, #tpu.memory_space<vmem>>, vector<128x1x128xf32>
    %swap3A_247 = vector.shape_cast %swap3A_246 : vector<128x1x128xf32> to vector<128x128xf32>
    %swap3A_248 = vector.shape_cast %add3A_242 : vector<128x128xf32> to vector<128x1x128xf32>
    tpu.vector_store %arg12[%swap3A_243, %swap3A_244, %swap3A_245], %swap3A_248 {strides = array<i32>} : memref<128x64x128xf32, #tpu.memory_space<vmem>>, vector<128x1x128xf32>,
    %slice3A_249 = vector.extract_strided_slice %transpose3A {offsets = [0, 440], sizes = [128, 20], strides = [1, 1]} : vector<128x1280xf32> to vector<128x20xf32>
    %dot_general3A_250 = arith.constant dense<0.000000e+00> : vector<128x128xf32>
    %dot_general3A_251 = tpu.matmul %slice3A_249, %get3A_7, %dot_general3A_250 {dimension_numbers = #tpu.dot_dimension_numbers<[1], [0], [0], [1], [0, 0, 1, 1], [], []>, transpose_lhs_hint = false} : vector<128x20xf32>, vector<20x128xf32>, vector<128x128xf32> -> vector<128x128xf32>
    %add3A_252 = vector.broadcast %get3A_10 : vector<1x128xf32> to vector<128x128xf32>
    %add3A_253 = arith.addf %dot_general3A_251, %add3A_252 : vector<128x128xf32>
    %swap3A_254 = arith.constant 0 : index
    %swap3A_255 = arith.constant 22 : index
    %swap3A_256 = arith.constant 0 : index
    %swap3A_257 = vector.load %arg12[%swap3A_254, %swap3A_255, %swap3A_256] : memref<128x64x128xf32, #tpu.memory_space<vmem>>, vector<128x1x128xf32>
    %swap3A_258 = vector.shape_cast %swap3A_257 : vector<128x1x128xf32> to vector<128x128xf32>
    %swap3A_259 = vector.shape_cast %add3A_253 : vector<128x128xf32> to vector<128x1x128xf32>
    tpu.vector_store %arg12[%swap3A_254, %swap3A_255, %swap3A_256], %swap3A_259 {strides = array<i32>} : memref<128x64x128xf32, #tpu.memory_space<vmem>>, vector<128x1x128xf32>,
    %slice3A_260 = vector.extract_strided_slice %transpose3A {offsets = [0, 460], sizes = [128, 20], strides = [1, 1]} : vector<128x1280xf32> to vector<128x20xf32>
    %dot_general3A_261 = arith.constant dense<0.000000e+00> : vector<128x128xf32>
    %dot_general3A_262 = tpu.matmul %slice3A_260, %get3A_7, %dot_general3A_261 {dimension_numbers = #tpu.dot_dimension_numbers<[1], [0], [0], [1], [0, 0, 1, 1], [], []>, transpose_lhs_hint = false} : vector<128x20xf32>, vector<20x128xf32>, vector<128x128xf32> -> vector<128x128xf32>
    %add3A_263 = vector.broadcast %get3A_10 : vector<1x128xf32> to vector<128x128xf32>
    %add3A_264 = arith.addf %dot_general3A_262, %add3A_263 : vector<128x128xf32>
    %swap3A_265 = arith.constant 0 : index
    %swap3A_266 = arith.constant 23 : index
    %swap3A_267 = arith.constant 0 : index
    %swap3A_268 = vector.load %arg12[%swap3A_265, %swap3A_266, %swap3A_267] : memref<128x64x128xf32, #tpu.memory_space<vmem>>, vector<128x1x128xf32>
    %swap3A_269 = vector.shape_cast %swap3A_268 : vector<128x1x128xf32> to vector<128x128xf32>
    %swap3A_270 = vector.shape_cast %add3A_264 : vector<128x128xf32> to vector<128x1x128xf32>
    tpu.vector_store %arg12[%swap3A_265, %swap3A_266, %swap3A_267], %swap3A_270 {strides = array<i32>} : memref<128x64x128xf32, #tpu.memory_space<vmem>>, vector<128x1x128xf32>,
    %slice3A_271 = vector.extract_strided_slice %transpose3A {offsets = [0, 480], sizes = [128, 20], strides = [1, 1]} : vector<128x1280xf32> to vector<128x20xf32>
    %dot_general3A_272 = arith.constant dense<0.000000e+00> : vector<128x128xf32>
    %dot_general3A_273 = tpu.matmul %slice3A_271, %get3A_7, %dot_general3A_272 {dimension_numbers = #tpu.dot_dimension_numbers<[1], [0], [0], [1], [0, 0, 1, 1], [], []>, transpose_lhs_hint = false} : vector<128x20xf32>, vector<20x128xf32>, vector<128x128xf32> -> vector<128x128xf32>
    %add3A_274 = vector.broadcast %get3A_10 : vector<1x128xf32> to vector<128x128xf32>
    %add3A_275 = arith.addf %dot_general3A_273, %add3A_274 : vector<128x128xf32>
    %swap3A_276 = arith.constant 0 : index
    %swap3A_277 = arith.constant 24 : index
    %swap3A_278 = arith.constant 0 : index
    %swap3A_279 = vector.load %arg12[%swap3A_276, %swap3A_277, %swap3A_278] : memref<128x64x128xf32, #tpu.memory_space<vmem>>, vector<128x1x128xf32>
    %swap3A_280 = vector.shape_cast %swap3A_279 : vector<128x1x128xf32> to vector<128x128xf32>
    %swap3A_281 = vector.shape_cast %add3A_275 : vector<128x128xf32> to vector<128x1x128xf32>
    tpu.vector_store %arg12[%swap3A_276, %swap3A_277, %swap3A_278], %swap3A_281 {strides = array<i32>} : memref<128x64x128xf32, #tpu.memory_space<vmem>>, vector<128x1x128xf32>,
    %slice3A_282 = vector.extract_strided_slice %transpose3A {offsets = [0, 500], sizes = [128, 20], strides = [1, 1]} : vector<128x1280xf32> to vector<128x20xf32>
    %dot_general3A_283 = arith.constant dense<0.000000e+00> : vector<128x128xf32>
    %dot_general3A_284 = tpu.matmul %slice3A_282, %get3A_7, %dot_general3A_283 {dimension_numbers = #tpu.dot_dimension_numbers<[1], [0], [0], [1], [0, 0, 1, 1], [], []>, transpose_lhs_hint = false} : vector<128x20xf32>, vector<20x128xf32>, vector<128x128xf32> -> vector<128x128xf32>
    %add3A_285 = vector.broadcast %get3A_10 : vector<1x128xf32> to vector<128x128xf32>
    %add3A_286 = arith.addf %dot_general3A_284, %add3A_285 : vector<128x128xf32>
    %swap3A_287 = arith.constant 0 : index
    %swap3A_288 = arith.constant 25 : index
    %swap3A_289 = arith.constant 0 : index
    %swap3A_290 = vector.load %arg12[%swap3A_287, %swap3A_288, %swap3A_289] : memref<128x64x128xf32, #tpu.memory_space<vmem>>, vector<128x1x128xf32>
    %swap3A_291 = vector.shape_cast %swap3A_290 : vector<128x1x128xf32> to vector<128x128xf32>
    %swap3A_292 = vector.shape_cast %add3A_286 : vector<128x128xf32> to vector<128x1x128xf32>
    tpu.vector_store %arg12[%swap3A_287, %swap3A_288, %swap3A_289], %swap3A_292 {strides = array<i32>} : memref<128x64x128xf32, #tpu.memory_space<vmem>>, vector<128x1x128xf32>,
    %slice3A_293 = vector.extract_strided_slice %transpose3A {offsets = [0, 520], sizes = [128, 20], strides = [1, 1]} : vector<128x1280xf32> to vector<128x20xf32>
    %dot_general3A_294 = arith.constant dense<0.000000e+00> : vector<128x128xf32>
    %dot_general3A_295 = tpu.matmul %slice3A_293, %get3A_7, %dot_general3A_294 {dimension_numbers = #tpu.dot_dimension_numbers<[1], [0], [0], [1], [0, 0, 1, 1], [], []>, transpose_lhs_hint = false} : vector<128x20xf32>, vector<20x128xf32>, vector<128x128xf32> -> vector<128x128xf32>
    %add3A_296 = vector.broadcast %get3A_10 : vector<1x128xf32> to vector<128x128xf32>
    %add3A_297 = arith.addf %dot_general3A_295, %add3A_296 : vector<128x128xf32>
    %swap3A_298 = arith.constant 0 : index
    %swap3A_299 = arith.constant 26 : index
    %swap3A_300 = arith.constant 0 : index
    %swap3A_301 = vector.load %arg12[%swap3A_298, %swap3A_299, %swap3A_300] : memref<128x64x128xf32, #tpu.memory_space<vmem>>, vector<128x1x128xf32>
    %swap3A_302 = vector.shape_cast %swap3A_301 : vector<128x1x128xf32> to vector<128x128xf32>
    %swap3A_303 = vector.shape_cast %add3A_297 : vector<128x128xf32> to vector<128x1x128xf32>
    tpu.vector_store %arg12[%swap3A_298, %swap3A_299, %swap3A_300], %swap3A_303 {strides = array<i32>} : memref<128x64x128xf32, #tpu.memory_space<vmem>>, vector<128x1x128xf32>,
    %slice3A_304 = vector.extract_strided_slice %transpose3A {offsets = [0, 540], sizes = [128, 20], strides = [1, 1]} : vector<128x1280xf32> to vector<128x20xf32>
    %dot_general3A_305 = arith.constant dense<0.000000e+00> : vector<128x128xf32>
    %dot_general3A_306 = tpu.matmul %slice3A_304, %get3A_7, %dot_general3A_305 {dimension_numbers = #tpu.dot_dimension_numbers<[1], [0], [0], [1], [0, 0, 1, 1], [], []>, transpose_lhs_hint = false} : vector<128x20xf32>, vector<20x128xf32>, vector<128x128xf32> -> vector<128x128xf32>
    %add3A_307 = vector.broadcast %get3A_10 : vector<1x128xf32> to vector<128x128xf32>
    %add3A_308 = arith.addf %dot_general3A_306, %add3A_307 : vector<128x128xf32>
    %swap3A_309 = arith.constant 0 : index
    %swap3A_310 = arith.constant 27 : index
    %swap3A_311 = arith.constant 0 : index
    %swap3A_312 = vector.load %arg12[%swap3A_309, %swap3A_310, %swap3A_311] : memref<128x64x128xf32, #tpu.memory_space<vmem>>, vector<128x1x128xf32>
    %swap3A_313 = vector.shape_cast %swap3A_312 : vector<128x1x128xf32> to vector<128x128xf32>
    %swap3A_314 = vector.shape_cast %add3A_308 : vector<128x128xf32> to vector<128x1x128xf32>
    tpu.vector_store %arg12[%swap3A_309, %swap3A_310, %swap3A_311], %swap3A_314 {strides = array<i32>} : memref<128x64x128xf32, #tpu.memory_space<vmem>>, vector<128x1x128xf32>,
    %slice3A_315 = vector.extract_strided_slice %transpose3A {offsets = [0, 560], sizes = [128, 20], strides = [1, 1]} : vector<128x1280xf32> to vector<128x20xf32>
    %dot_general3A_316 = arith.constant dense<0.000000e+00> : vector<128x128xf32>
    %dot_general3A_317 = tpu.matmul %slice3A_315, %get3A_7, %dot_general3A_316 {dimension_numbers = #tpu.dot_dimension_numbers<[1], [0], [0], [1], [0, 0, 1, 1], [], []>, transpose_lhs_hint = false} : vector<128x20xf32>, vector<20x128xf32>, vector<128x128xf32> -> vector<128x128xf32>
    %add3A_318 = vector.broadcast %get3A_10 : vector<1x128xf32> to vector<128x128xf32>
    %add3A_319 = arith.addf %dot_general3A_317, %add3A_318 : vector<128x128xf32>
    %swap3A_320 = arith.constant 0 : index
    %swap3A_321 = arith.constant 28 : index
    %swap3A_322 = arith.constant 0 : index
    %swap3A_323 = vector.load %arg12[%swap3A_320, %swap3A_321, %swap3A_322] : memref<128x64x128xf32, #tpu.memory_space<vmem>>, vector<128x1x128xf32>
    %swap3A_324 = vector.shape_cast %swap3A_323 : vector<128x1x128xf32> to vector<128x128xf32>
    %swap3A_325 = vector.shape_cast %add3A_319 : vector<128x128xf32> to vector<128x1x128xf32>
    tpu.vector_store %arg12[%swap3A_320, %swap3A_321, %swap3A_322], %swap3A_325 {strides = array<i32>} : memref<128x64x128xf32, #tpu.memory_space<vmem>>, vector<128x1x128xf32>,
    %slice3A_326 = vector.extract_strided_slice %transpose3A {offsets = [0, 580], sizes = [128, 20], strides = [1, 1]} : vector<128x1280xf32> to vector<128x20xf32>
    %dot_general3A_327 = arith.constant dense<0.000000e+00> : vector<128x128xf32>
    %dot_general3A_328 = tpu.matmul %slice3A_326, %get3A_7, %dot_general3A_327 {dimension_numbers = #tpu.dot_dimension_numbers<[1], [0], [0], [1], [0, 0, 1, 1], [], []>, transpose_lhs_hint = false} : vector<128x20xf32>, vector<20x128xf32>, vector<128x128xf32> -> vector<128x128xf32>
    %add3A_329 = vector.broadcast %get3A_10 : vector<1x128xf32> to vector<128x128xf32>
    %add3A_330 = arith.addf %dot_general3A_328, %add3A_329 : vector<128x128xf32>
    %swap3A_331 = arith.constant 0 : index
    %swap3A_332 = arith.constant 29 : index
    %swap3A_333 = arith.constant 0 : index
    %swap3A_334 = vector.load %arg12[%swap3A_331, %swap3A_332, %swap3A_333] : memref<128x64x128xf32, #tpu.memory_space<vmem>>, vector<128x1x128xf32>
    %swap3A_335 = vector.shape_cast %swap3A_334 : vector<128x1x128xf32> to vector<128x128xf32>
    %swap3A_336 = vector.shape_cast %add3A_330 : vector<128x128xf32> to vector<128x1x128xf32>
    tpu.vector_store %arg12[%swap3A_331, %swap3A_332, %swap3A_333], %swap3A_336 {strides = array<i32>} : memref<128x64x128xf32, #tpu.memory_space<vmem>>, vector<128x1x128xf32>,
    %slice3A_337 = vector.extract_strided_slice %transpose3A {offsets = [0, 600], sizes = [128, 20], strides = [1, 1]} : vector<128x1280xf32> to vector<128x20xf32>
    %dot_general3A_338 = arith.constant dense<0.000000e+00> : vector<128x128xf32>
    %dot_general3A_339 = tpu.matmul %slice3A_337, %get3A_7, %dot_general3A_338 {dimension_numbers = #tpu.dot_dimension_numbers<[1], [0], [0], [1], [0, 0, 1, 1], [], []>, transpose_lhs_hint = false} : vector<128x20xf32>, vector<20x128xf32>, vector<128x128xf32> -> vector<128x128xf32>
    %add3A_340 = vector.broadcast %get3A_10 : vector<1x128xf32> to vector<128x128xf32>
    %add3A_341 = arith.addf %dot_general3A_339, %add3A_340 : vector<128x128xf32>
    %swap3A_342 = arith.constant 0 : index
    %swap3A_343 = arith.constant 30 : index
    %swap3A_344 = arith.constant 0 : index
    %swap3A_345 = vector.load %arg12[%swap3A_342, %swap3A_343, %swap3A_344] : memref<128x64x128xf32, #tpu.memory_space<vmem>>, vector<128x1x128xf32>
    %swap3A_346 = vector.shape_cast %swap3A_345 : vector<128x1x128xf32> to vector<128x128xf32>
    %swap3A_347 = vector.shape_cast %add3A_341 : vector<128x128xf32> to vector<128x1x128xf32>
    tpu.vector_store %arg12[%swap3A_342, %swap3A_343, %swap3A_344], %swap3A_347 {strides = array<i32>} : memref<128x64x128xf32, #tpu.memory_space<vmem>>, vector<128x1x128xf32>,
    %slice3A_348 = vector.extract_strided_slice %transpose3A {offsets = [0, 620], sizes = [128, 20], strides = [1, 1]} : vector<128x1280xf32> to vector<128x20xf32>
    %dot_general3A_349 = arith.constant dense<0.000000e+00> : vector<128x128xf32>
    %dot_general3A_350 = tpu.matmul %slice3A_348, %get3A_7, %dot_general3A_349 {dimension_numbers = #tpu.dot_dimension_numbers<[1], [0], [0], [1], [0, 0, 1, 1], [], []>, transpose_lhs_hint = false} : vector<128x20xf32>, vector<20x128xf32>, vector<128x128xf32> -> vector<128x128xf32>
    %add3A_351 = vector.broadcast %get3A_10 : vector<1x128xf32> to vector<128x128xf32>
    %add3A_352 = arith.addf %dot_general3A_350, %add3A_351 : vector<128x128xf32>
    %swap3A_353 = arith.constant 0 : index
    %swap3A_354 = arith.constant 31 : index
    %swap3A_355 = arith.constant 0 : index
    %swap3A_356 = vector.load %arg12[%swap3A_353, %swap3A_354, %swap3A_355] : memref<128x64x128xf32, #tpu.memory_space<vmem>>, vector<128x1x128xf32>
    %swap3A_357 = vector.shape_cast %swap3A_356 : vector<128x1x128xf32> to vector<128x128xf32>
    %swap3A_358 = vector.shape_cast %add3A_352 : vector<128x128xf32> to vector<128x1x128xf32>
    tpu.vector_store %arg12[%swap3A_353, %swap3A_354, %swap3A_355], %swap3A_358 {strides = array<i32>} : memref<128x64x128xf32, #tpu.memory_space<vmem>>, vector<128x1x128xf32>,
    %slice3A_359 = vector.extract_strided_slice %transpose3A {offsets = [0, 640], sizes = [128, 20], strides = [1, 1]} : vector<128x1280xf32> to vector<128x20xf32>
    %dot_general3A_360 = arith.constant dense<0.000000e+00> : vector<128x128xf32>
    %dot_general3A_361 = tpu.matmul %slice3A_359, %get3A_7, %dot_general3A_360 {dimension_numbers = #tpu.dot_dimension_numbers<[1], [0], [0], [1], [0, 0, 1, 1], [], []>, transpose_lhs_hint = false} : vector<128x20xf32>, vector<20x128xf32>, vector<128x128xf32> -> vector<128x128xf32>
    %add3A_362 = vector.broadcast %get3A_10 : vector<1x128xf32> to vector<128x128xf32>
    %add3A_363 = arith.addf %dot_general3A_361, %add3A_362 : vector<128x128xf32>
    %swap3A_364 = arith.constant 0 : index
    %swap3A_365 = arith.constant 32 : index
    %swap3A_366 = arith.constant 0 : index
    %swap3A_367 = vector.load %arg12[%swap3A_364, %swap3A_365, %swap3A_366] : memref<128x64x128xf32, #tpu.memory_space<vmem>>, vector<128x1x128xf32>
    %swap3A_368 = vector.shape_cast %swap3A_367 : vector<128x1x128xf32> to vector<128x128xf32>
    %swap3A_369 = vector.shape_cast %add3A_363 : vector<128x128xf32> to vector<128x1x128xf32>
    tpu.vector_store %arg12[%swap3A_364, %swap3A_365, %swap3A_366], %swap3A_369 {strides = array<i32>} : memref<128x64x128xf32, #tpu.memory_space<vmem>>, vector<128x1x128xf32>,
    %slice3A_370 = vector.extract_strided_slice %transpose3A {offsets = [0, 660], sizes = [128, 20], strides = [1, 1]} : vector<128x1280xf32> to vector<128x20xf32>
    %dot_general3A_371 = arith.constant dense<0.000000e+00> : vector<128x128xf32>
    %dot_general3A_372 = tpu.matmul %slice3A_370, %get3A_7, %dot_general3A_371 {dimension_numbers = #tpu.dot_dimension_numbers<[1], [0], [0], [1], [0, 0, 1, 1], [], []>, transpose_lhs_hint = false} : vector<128x20xf32>, vector<20x128xf32>, vector<128x128xf32> -> vector<128x128xf32>
    %add3A_373 = vector.broadcast %get3A_10 : vector<1x128xf32> to vector<128x128xf32>
    %add3A_374 = arith.addf %dot_general3A_372, %add3A_373 : vector<128x128xf32>
    %swap3A_375 = arith.constant 0 : index
    %swap3A_376 = arith.constant 33 : index
    %swap3A_377 = arith.constant 0 : index
    %swap3A_378 = vector.load %arg12[%swap3A_375, %swap3A_376, %swap3A_377] : memref<128x64x128xf32, #tpu.memory_space<vmem>>, vector<128x1x128xf32>
    %swap3A_379 = vector.shape_cast %swap3A_378 : vector<128x1x128xf32> to vector<128x128xf32>
    %swap3A_380 = vector.shape_cast %add3A_374 : vector<128x128xf32> to vector<128x1x128xf32>
    tpu.vector_store %arg12[%swap3A_375, %swap3A_376, %swap3A_377], %swap3A_380 {strides = array<i32>} : memref<128x64x128xf32, #tpu.memory_space<vmem>>, vector<128x1x128xf32>,
    %slice3A_381 = vector.extract_strided_slice %transpose3A {offsets = [0, 680], sizes = [128, 20], strides = [1, 1]} : vector<128x1280xf32> to vector<128x20xf32>
    %dot_general3A_382 = arith.constant dense<0.000000e+00> : vector<128x128xf32>
    %dot_general3A_383 = tpu.matmul %slice3A_381, %get3A_7, %dot_general3A_382 {dimension_numbers = #tpu.dot_dimension_numbers<[1], [0], [0], [1], [0, 0, 1, 1], [], []>, transpose_lhs_hint = false} : vector<128x20xf32>, vector<20x128xf32>, vector<128x128xf32> -> vector<128x128xf32>
    %add3A_384 = vector.broadcast %get3A_10 : vector<1x128xf32> to vector<128x128xf32>
    %add3A_385 = arith.addf %dot_general3A_383, %add3A_384 : vector<128x128xf32>
    %swap3A_386 = arith.constant 0 : index
    %swap3A_387 = arith.constant 34 : index
    %swap3A_388 = arith.constant 0 : index
    %swap3A_389 = vector.load %arg12[%swap3A_386, %swap3A_387, %swap3A_388] : memref<128x64x128xf32, #tpu.memory_space<vmem>>, vector<128x1x128xf32>
    %swap3A_390 = vector.shape_cast %swap3A_389 : vector<128x1x128xf32> to vector<128x128xf32>
    %swap3A_391 = vector.shape_cast %add3A_385 : vector<128x128xf32> to vector<128x1x128xf32>
    tpu.vector_store %arg12[%swap3A_386, %swap3A_387, %swap3A_388], %swap3A_391 {strides = array<i32>} : memref<128x64x128xf32, #tpu.memory_space<vmem>>, vector<128x1x128xf32>,
    %slice3A_392 = vector.extract_strided_slice %transpose3A {offsets = [0, 700], sizes = [128, 20], strides = [1, 1]} : vector<128x1280xf32> to vector<128x20xf32>
    %dot_general3A_393 = arith.constant dense<0.000000e+00> : vector<128x128xf32>
    %dot_general3A_394 = tpu.matmul %slice3A_392, %get3A_7, %dot_general3A_393 {dimension_numbers = #tpu.dot_dimension_numbers<[1], [0], [0], [1], [0, 0, 1, 1], [], []>, transpose_lhs_hint = false} : vector<128x20xf32>, vector<20x128xf32>, vector<128x128xf32> -> vector<128x128xf32>
    %add3A_395 = vector.broadcast %get3A_10 : vector<1x128xf32> to vector<128x128xf32>
    %add3A_396 = arith.addf %dot_general3A_394, %add3A_395 : vector<128x128xf32>
    %swap3A_397 = arith.constant 0 : index
    %swap3A_398 = arith.constant 35 : index
    %swap3A_399 = arith.constant 0 : index
    %swap3A_400 = vector.load %arg12[%swap3A_397, %swap3A_398, %swap3A_399] : memref<128x64x128xf32, #tpu.memory_space<vmem>>, vector<128x1x128xf32>
    %swap3A_401 = vector.shape_cast %swap3A_400 : vector<128x1x128xf32> to vector<128x128xf32>
    %swap3A_402 = vector.shape_cast %add3A_396 : vector<128x128xf32> to vector<128x1x128xf32>
    tpu.vector_store %arg12[%swap3A_397, %swap3A_398, %swap3A_399], %swap3A_402 {strides = array<i32>} : memref<128x64x128xf32, #tpu.memory_space<vmem>>, vector<128x1x128xf32>,
    %slice3A_403 = vector.extract_strided_slice %transpose3A {offsets = [0, 720], sizes = [128, 20], strides = [1, 1]} : vector<128x1280xf32> to vector<128x20xf32>
    %dot_general3A_404 = arith.constant dense<0.000000e+00> : vector<128x128xf32>
    %dot_general3A_405 = tpu.matmul %slice3A_403, %get3A_7, %dot_general3A_404 {dimension_numbers = #tpu.dot_dimension_numbers<[1], [0], [0], [1], [0, 0, 1, 1], [], []>, transpose_lhs_hint = false} : vector<128x20xf32>, vector<20x128xf32>, vector<128x128xf32> -> vector<128x128xf32>
    %add3A_406 = vector.broadcast %get3A_10 : vector<1x128xf32> to vector<128x128xf32>
    %add3A_407 = arith.addf %dot_general3A_405, %add3A_406 : vector<128x128xf32>
    %swap3A_408 = arith.constant 0 : index
    %swap3A_409 = arith.constant 36 : index
    %swap3A_410 = arith.constant 0 : index
    %swap3A_411 = vector.load %arg12[%swap3A_408, %swap3A_409, %swap3A_410] : memref<128x64x128xf32, #tpu.memory_space<vmem>>, vector<128x1x128xf32>
    %swap3A_412 = vector.shape_cast %swap3A_411 : vector<128x1x128xf32> to vector<128x128xf32>
    %swap3A_413 = vector.shape_cast %add3A_407 : vector<128x128xf32> to vector<128x1x128xf32>
    tpu.vector_store %arg12[%swap3A_408, %swap3A_409, %swap3A_410], %swap3A_413 {strides = array<i32>} : memref<128x64x128xf32, #tpu.memory_space<vmem>>, vector<128x1x128xf32>,
    %slice3A_414 = vector.extract_strided_slice %transpose3A {offsets = [0, 740], sizes = [128, 20], strides = [1, 1]} : vector<128x1280xf32> to vector<128x20xf32>
    %dot_general3A_415 = arith.constant dense<0.000000e+00> : vector<128x128xf32>
    %dot_general3A_416 = tpu.matmul %slice3A_414, %get3A_7, %dot_general3A_415 {dimension_numbers = #tpu.dot_dimension_numbers<[1], [0], [0], [1], [0, 0, 1, 1], [], []>, transpose_lhs_hint = false} : vector<128x20xf32>, vector<20x128xf32>, vector<128x128xf32> -> vector<128x128xf32>
    %add3A_417 = vector.broadcast %get3A_10 : vector<1x128xf32> to vector<128x128xf32>
    %add3A_418 = arith.addf %dot_general3A_416, %add3A_417 : vector<128x128xf32>
    %swap3A_419 = arith.constant 0 : index
    %swap3A_420 = arith.constant 37 : index
    %swap3A_421 = arith.constant 0 : index
    %swap3A_422 = vector.load %arg12[%swap3A_419, %swap3A_420, %swap3A_421] : memref<128x64x128xf32, #tpu.memory_space<vmem>>, vector<128x1x128xf32>
    %swap3A_423 = vector.shape_cast %swap3A_422 : vector<128x1x128xf32> to vector<128x128xf32>
    %swap3A_424 = vector.shape_cast %add3A_418 : vector<128x128xf32> to vector<128x1x128xf32>
    tpu.vector_store %arg12[%swap3A_419, %swap3A_420, %swap3A_421], %swap3A_424 {strides = array<i32>} : memref<128x64x128xf32, #tpu.memory_space<vmem>>, vector<128x1x128xf32>,
    %slice3A_425 = vector.extract_strided_slice %transpose3A {offsets = [0, 760], sizes = [128, 20], strides = [1, 1]} : vector<128x1280xf32> to vector<128x20xf32>
    %dot_general3A_426 = arith.constant dense<0.000000e+00> : vector<128x128xf32>
    %dot_general3A_427 = tpu.matmul %slice3A_425, %get3A_7, %dot_general3A_426 {dimension_numbers = #tpu.dot_dimension_numbers<[1], [0], [0], [1], [0, 0, 1, 1], [], []>, transpose_lhs_hint = false} : vector<128x20xf32>, vector<20x128xf32>, vector<128x128xf32> -> vector<128x128xf32>
    %add3A_428 = vector.broadcast %get3A_10 : vector<1x128xf32> to vector<128x128xf32>
    %add3A_429 = arith.addf %dot_general3A_427, %add3A_428 : vector<128x128xf32>
    %swap3A_430 = arith.constant 0 : index
    %swap3A_431 = arith.constant 38 : index
    %swap3A_432 = arith.constant 0 : index
    %swap3A_433 = vector.load %arg12[%swap3A_430, %swap3A_431, %swap3A_432] : memref<128x64x128xf32, #tpu.memory_space<vmem>>, vector<128x1x128xf32>
    %swap3A_434 = vector.shape_cast %swap3A_433 : vector<128x1x128xf32> to vector<128x128xf32>
    %swap3A_435 = vector.shape_cast %add3A_429 : vector<128x128xf32> to vector<128x1x128xf32>
    tpu.vector_store %arg12[%swap3A_430, %swap3A_431, %swap3A_432], %swap3A_435 {strides = array<i32>} : memref<128x64x128xf32, #tpu.memory_space<vmem>>, vector<128x1x128xf32>,
    %slice3A_436 = vector.extract_strided_slice %transpose3A {offsets = [0, 780], sizes = [128, 20], strides = [1, 1]} : vector<128x1280xf32> to vector<128x20xf32>
    %dot_general3A_437 = arith.constant dense<0.000000e+00> : vector<128x128xf32>
    %dot_general3A_438 = tpu.matmul %slice3A_436, %get3A_7, %dot_general3A_437 {dimension_numbers = #tpu.dot_dimension_numbers<[1], [0], [0], [1], [0, 0, 1, 1], [], []>, transpose_lhs_hint = false} : vector<128x20xf32>, vector<20x128xf32>, vector<128x128xf32> -> vector<128x128xf32>
    %add3A_439 = vector.broadcast %get3A_10 : vector<1x128xf32> to vector<128x128xf32>
    %add3A_440 = arith.addf %dot_general3A_438, %add3A_439 : vector<128x128xf32>
    %swap3A_441 = arith.constant 0 : index
    %swap3A_442 = arith.constant 39 : index
    %swap3A_443 = arith.constant 0 : index
    %swap3A_444 = vector.load %arg12[%swap3A_441, %swap3A_442, %swap3A_443] : memref<128x64x128xf32, #tpu.memory_space<vmem>>, vector<128x1x128xf32>
    %swap3A_445 = vector.shape_cast %swap3A_444 : vector<128x1x128xf32> to vector<128x128xf32>
    %swap3A_446 = vector.shape_cast %add3A_440 : vector<128x128xf32> to vector<128x1x128xf32>
    tpu.vector_store %arg12[%swap3A_441, %swap3A_442, %swap3A_443], %swap3A_446 {strides = array<i32>} : memref<128x64x128xf32, #tpu.memory_space<vmem>>, vector<128x1x128xf32>,
    %slice3A_447 = vector.extract_strided_slice %transpose3A {offsets = [0, 800], sizes = [128, 20], strides = [1, 1]} : vector<128x1280xf32> to vector<128x20xf32>
    %dot_general3A_448 = arith.constant dense<0.000000e+00> : vector<128x128xf32>
    %dot_general3A_449 = tpu.matmul %slice3A_447, %get3A_7, %dot_general3A_448 {dimension_numbers = #tpu.dot_dimension_numbers<[1], [0], [0], [1], [0, 0, 1, 1], [], []>, transpose_lhs_hint = false} : vector<128x20xf32>, vector<20x128xf32>, vector<128x128xf32> -> vector<128x128xf32>
    %add3A_450 = vector.broadcast %get3A_10 : vector<1x128xf32> to vector<128x128xf32>
    %add3A_451 = arith.addf %dot_general3A_449, %add3A_450 : vector<128x128xf32>
    %swap3A_452 = arith.constant 0 : index
    %swap3A_453 = arith.constant 40 : index
    %swap3A_454 = arith.constant 0 : index
    %swap3A_455 = vector.load %arg12[%swap3A_452, %swap3A_453, %swap3A_454] : memref<128x64x128xf32, #tpu.memory_space<vmem>>, vector<128x1x128xf32>
    %swap3A_456 = vector.shape_cast %swap3A_455 : vector<128x1x128xf32> to vector<128x128xf32>
    %swap3A_457 = vector.shape_cast %add3A_451 : vector<128x128xf32> to vector<128x1x128xf32>
    tpu.vector_store %arg12[%swap3A_452, %swap3A_453, %swap3A_454], %swap3A_457 {strides = array<i32>} : memref<128x64x128xf32, #tpu.memory_space<vmem>>, vector<128x1x128xf32>,
    %slice3A_458 = vector.extract_strided_slice %transpose3A {offsets = [0, 820], sizes = [128, 20], strides = [1, 1]} : vector<128x1280xf32> to vector<128x20xf32>
    %dot_general3A_459 = arith.constant dense<0.000000e+00> : vector<128x128xf32>
    %dot_general3A_460 = tpu.matmul %slice3A_458, %get3A_7, %dot_general3A_459 {dimension_numbers = #tpu.dot_dimension_numbers<[1], [0], [0], [1], [0, 0, 1, 1], [], []>, transpose_lhs_hint = false} : vector<128x20xf32>, vector<20x128xf32>, vector<128x128xf32> -> vector<128x128xf32>
    %add3A_461 = vector.broadcast %get3A_10 : vector<1x128xf32> to vector<128x128xf32>
    %add3A_462 = arith.addf %dot_general3A_460, %add3A_461 : vector<128x128xf32>
    %swap3A_463 = arith.constant 0 : index
    %swap3A_464 = arith.constant 41 : index
    %swap3A_465 = arith.constant 0 : index
    %swap3A_466 = vector.load %arg12[%swap3A_463, %swap3A_464, %swap3A_465] : memref<128x64x128xf32, #tpu.memory_space<vmem>>, vector<128x1x128xf32>
    %swap3A_467 = vector.shape_cast %swap3A_466 : vector<128x1x128xf32> to vector<128x128xf32>
    %swap3A_468 = vector.shape_cast %add3A_462 : vector<128x128xf32> to vector<128x1x128xf32>
    tpu.vector_store %arg12[%swap3A_463, %swap3A_464, %swap3A_465], %swap3A_468 {strides = array<i32>} : memref<128x64x128xf32, #tpu.memory_space<vmem>>, vector<128x1x128xf32>,
    %slice3A_469 = vector.extract_strided_slice %transpose3A {offsets = [0, 840], sizes = [128, 20], strides = [1, 1]} : vector<128x1280xf32> to vector<128x20xf32>
    %dot_general3A_470 = arith.constant dense<0.000000e+00> : vector<128x128xf32>
    %dot_general3A_471 = tpu.matmul %slice3A_469, %get3A_7, %dot_general3A_470 {dimension_numbers = #tpu.dot_dimension_numbers<[1], [0], [0], [1], [0, 0, 1, 1], [], []>, transpose_lhs_hint = false} : vector<128x20xf32>, vector<20x128xf32>, vector<128x128xf32> -> vector<128x128xf32>
    %add3A_472 = vector.broadcast %get3A_10 : vector<1x128xf32> to vector<128x128xf32>
    %add3A_473 = arith.addf %dot_general3A_471, %add3A_472 : vector<128x128xf32>
    %swap3A_474 = arith.constant 0 : index
    %swap3A_475 = arith.constant 42 : index
    %swap3A_476 = arith.constant 0 : index
    %swap3A_477 = vector.load %arg12[%swap3A_474, %swap3A_475, %swap3A_476] : memref<128x64x128xf32, #tpu.memory_space<vmem>>, vector<128x1x128xf32>
    %swap3A_478 = vector.shape_cast %swap3A_477 : vector<128x1x128xf32> to vector<128x128xf32>
    %swap3A_479 = vector.shape_cast %add3A_473 : vector<128x128xf32> to vector<128x1x128xf32>
    tpu.vector_store %arg12[%swap3A_474, %swap3A_475, %swap3A_476], %swap3A_479 {strides = array<i32>} : memref<128x64x128xf32, #tpu.memory_space<vmem>>, vector<128x1x128xf32>,
    %slice3A_480 = vector.extract_strided_slice %transpose3A {offsets = [0, 860], sizes = [128, 20], strides = [1, 1]} : vector<128x1280xf32> to vector<128x20xf32>
    %dot_general3A_481 = arith.constant dense<0.000000e+00> : vector<128x128xf32>
    %dot_general3A_482 = tpu.matmul %slice3A_480, %get3A_7, %dot_general3A_481 {dimension_numbers = #tpu.dot_dimension_numbers<[1], [0], [0], [1], [0, 0, 1, 1], [], []>, transpose_lhs_hint = false} : vector<128x20xf32>, vector<20x128xf32>, vector<128x128xf32> -> vector<128x128xf32>
    %add3A_483 = vector.broadcast %get3A_10 : vector<1x128xf32> to vector<128x128xf32>
    %add3A_484 = arith.addf %dot_general3A_482, %add3A_483 : vector<128x128xf32>
    %swap3A_485 = arith.constant 0 : index
    %swap3A_486 = arith.constant 43 : index
    %swap3A_487 = arith.constant 0 : index
    %swap3A_488 = vector.load %arg12[%swap3A_485, %swap3A_486, %swap3A_487] : memref<128x64x128xf32, #tpu.memory_space<vmem>>, vector<128x1x128xf32>
    %swap3A_489 = vector.shape_cast %swap3A_488 : vector<128x1x128xf32> to vector<128x128xf32>
    %swap3A_490 = vector.shape_cast %add3A_484 : vector<128x128xf32> to vector<128x1x128xf32>
    tpu.vector_store %arg12[%swap3A_485, %swap3A_486, %swap3A_487], %swap3A_490 {strides = array<i32>} : memref<128x64x128xf32, #tpu.memory_space<vmem>>, vector<128x1x128xf32>,
    %slice3A_491 = vector.extract_strided_slice %transpose3A {offsets = [0, 880], sizes = [128, 20], strides = [1, 1]} : vector<128x1280xf32> to vector<128x20xf32>
    %dot_general3A_492 = arith.constant dense<0.000000e+00> : vector<128x128xf32>
    %dot_general3A_493 = tpu.matmul %slice3A_491, %get3A_7, %dot_general3A_492 {dimension_numbers = #tpu.dot_dimension_numbers<[1], [0], [0], [1], [0, 0, 1, 1], [], []>, transpose_lhs_hint = false} : vector<128x20xf32>, vector<20x128xf32>, vector<128x128xf32> -> vector<128x128xf32>
    %add3A_494 = vector.broadcast %get3A_10 : vector<1x128xf32> to vector<128x128xf32>
    %add3A_495 = arith.addf %dot_general3A_493, %add3A_494 : vector<128x128xf32>
    %swap3A_496 = arith.constant 0 : index
    %swap3A_497 = arith.constant 44 : index
    %swap3A_498 = arith.constant 0 : index
    %swap3A_499 = vector.load %arg12[%swap3A_496, %swap3A_497, %swap3A_498] : memref<128x64x128xf32, #tpu.memory_space<vmem>>, vector<128x1x128xf32>
    %swap3A_500 = vector.shape_cast %swap3A_499 : vector<128x1x128xf32> to vector<128x128xf32>
    %swap3A_501 = vector.shape_cast %add3A_495 : vector<128x128xf32> to vector<128x1x128xf32>
    tpu.vector_store %arg12[%swap3A_496, %swap3A_497, %swap3A_498], %swap3A_501 {strides = array<i32>} : memref<128x64x128xf32, #tpu.memory_space<vmem>>, vector<128x1x128xf32>,
    %slice3A_502 = vector.extract_strided_slice %transpose3A {offsets = [0, 900], sizes = [128, 20], strides = [1, 1]} : vector<128x1280xf32> to vector<128x20xf32>
    %dot_general3A_503 = arith.constant dense<0.000000e+00> : vector<128x128xf32>
    %dot_general3A_504 = tpu.matmul %slice3A_502, %get3A_7, %dot_general3A_503 {dimension_numbers = #tpu.dot_dimension_numbers<[1], [0], [0], [1], [0, 0, 1, 1], [], []>, transpose_lhs_hint = false} : vector<128x20xf32>, vector<20x128xf32>, vector<128x128xf32> -> vector<128x128xf32>
    %add3A_505 = vector.broadcast %get3A_10 : vector<1x128xf32> to vector<128x128xf32>
    %add3A_506 = arith.addf %dot_general3A_504, %add3A_505 : vector<128x128xf32>
    %swap3A_507 = arith.constant 0 : index
    %swap3A_508 = arith.constant 45 : index
    %swap3A_509 = arith.constant 0 : index
    %swap3A_510 = vector.load %arg12[%swap3A_507, %swap3A_508, %swap3A_509] : memref<128x64x128xf32, #tpu.memory_space<vmem>>, vector<128x1x128xf32>
    %swap3A_511 = vector.shape_cast %swap3A_510 : vector<128x1x128xf32> to vector<128x128xf32>
    %swap3A_512 = vector.shape_cast %add3A_506 : vector<128x128xf32> to vector<128x1x128xf32>
    tpu.vector_store %arg12[%swap3A_507, %swap3A_508, %swap3A_509], %swap3A_512 {strides = array<i32>} : memref<128x64x128xf32, #tpu.memory_space<vmem>>, vector<128x1x128xf32>,
    %slice3A_513 = vector.extract_strided_slice %transpose3A {offsets = [0, 920], sizes = [128, 20], strides = [1, 1]} : vector<128x1280xf32> to vector<128x20xf32>
    %dot_general3A_514 = arith.constant dense<0.000000e+00> : vector<128x128xf32>
    %dot_general3A_515 = tpu.matmul %slice3A_513, %get3A_7, %dot_general3A_514 {dimension_numbers = #tpu.dot_dimension_numbers<[1], [0], [0], [1], [0, 0, 1, 1], [], []>, transpose_lhs_hint = false} : vector<128x20xf32>, vector<20x128xf32>, vector<128x128xf32> -> vector<128x128xf32>
    %add3A_516 = vector.broadcast %get3A_10 : vector<1x128xf32> to vector<128x128xf32>
    %add3A_517 = arith.addf %dot_general3A_515, %add3A_516 : vector<128x128xf32>
    %swap3A_518 = arith.constant 0 : index
    %swap3A_519 = arith.constant 46 : index
    %swap3A_520 = arith.constant 0 : index
    %swap3A_521 = vector.load %arg12[%swap3A_518, %swap3A_519, %swap3A_520] : memref<128x64x128xf32, #tpu.memory_space<vmem>>, vector<128x1x128xf32>
    %swap3A_522 = vector.shape_cast %swap3A_521 : vector<128x1x128xf32> to vector<128x128xf32>
    %swap3A_523 = vector.shape_cast %add3A_517 : vector<128x128xf32> to vector<128x1x128xf32>
    tpu.vector_store %arg12[%swap3A_518, %swap3A_519, %swap3A_520], %swap3A_523 {strides = array<i32>} : memref<128x64x128xf32, #tpu.memory_space<vmem>>, vector<128x1x128xf32>,
    %slice3A_524 = vector.extract_strided_slice %transpose3A {offsets = [0, 940], sizes = [128, 20], strides = [1, 1]} : vector<128x1280xf32> to vector<128x20xf32>
    %dot_general3A_525 = arith.constant dense<0.000000e+00> : vector<128x128xf32>
    %dot_general3A_526 = tpu.matmul %slice3A_524, %get3A_7, %dot_general3A_525 {dimension_numbers = #tpu.dot_dimension_numbers<[1], [0], [0], [1], [0, 0, 1, 1], [], []>, transpose_lhs_hint = false} : vector<128x20xf32>, vector<20x128xf32>, vector<128x128xf32> -> vector<128x128xf32>
    %add3A_527 = vector.broadcast %get3A_10 : vector<1x128xf32> to vector<128x128xf32>
    %add3A_528 = arith.addf %dot_general3A_526, %add3A_527 : vector<128x128xf32>
    %swap3A_529 = arith.constant 0 : index
    %swap3A_530 = arith.constant 47 : index
    %swap3A_531 = arith.constant 0 : index
    %swap3A_532 = vector.load %arg12[%swap3A_529, %swap3A_530, %swap3A_531] : memref<128x64x128xf32, #tpu.memory_space<vmem>>, vector<128x1x128xf32>
    %swap3A_533 = vector.shape_cast %swap3A_532 : vector<128x1x128xf32> to vector<128x128xf32>
    %swap3A_534 = vector.shape_cast %add3A_528 : vector<128x128xf32> to vector<128x1x128xf32>
    tpu.vector_store %arg12[%swap3A_529, %swap3A_530, %swap3A_531], %swap3A_534 {strides = array<i32>} : memref<128x64x128xf32, #tpu.memory_space<vmem>>, vector<128x1x128xf32>,
    %slice3A_535 = vector.extract_strided_slice %transpose3A {offsets = [0, 960], sizes = [128, 20], strides = [1, 1]} : vector<128x1280xf32> to vector<128x20xf32>
    %dot_general3A_536 = arith.constant dense<0.000000e+00> : vector<128x128xf32>
    %dot_general3A_537 = tpu.matmul %slice3A_535, %get3A_7, %dot_general3A_536 {dimension_numbers = #tpu.dot_dimension_numbers<[1], [0], [0], [1], [0, 0, 1, 1], [], []>, transpose_lhs_hint = false} : vector<128x20xf32>, vector<20x128xf32>, vector<128x128xf32> -> vector<128x128xf32>
    %add3A_538 = vector.broadcast %get3A_10 : vector<1x128xf32> to vector<128x128xf32>
    %add3A_539 = arith.addf %dot_general3A_537, %add3A_538 : vector<128x128xf32>
    %swap3A_540 = arith.constant 0 : index
    %swap3A_541 = arith.constant 48 : index
    %swap3A_542 = arith.constant 0 : index
    %swap3A_543 = vector.load %arg12[%swap3A_540, %swap3A_541, %swap3A_542] : memref<128x64x128xf32, #tpu.memory_space<vmem>>, vector<128x1x128xf32>
    %swap3A_544 = vector.shape_cast %swap3A_543 : vector<128x1x128xf32> to vector<128x128xf32>
    %swap3A_545 = vector.shape_cast %add3A_539 : vector<128x128xf32> to vector<128x1x128xf32>
    tpu.vector_store %arg12[%swap3A_540, %swap3A_541, %swap3A_542], %swap3A_545 {strides = array<i32>} : memref<128x64x128xf32, #tpu.memory_space<vmem>>, vector<128x1x128xf32>,
    %slice3A_546 = vector.extract_strided_slice %transpose3A {offsets = [0, 980], sizes = [128, 20], strides = [1, 1]} : vector<128x1280xf32> to vector<128x20xf32>
    %dot_general3A_547 = arith.constant dense<0.000000e+00> : vector<128x128xf32>
    %dot_general3A_548 = tpu.matmul %slice3A_546, %get3A_7, %dot_general3A_547 {dimension_numbers = #tpu.dot_dimension_numbers<[1], [0], [0], [1], [0, 0, 1, 1], [], []>, transpose_lhs_hint = false} : vector<128x20xf32>, vector<20x128xf32>, vector<128x128xf32> -> vector<128x128xf32>
    %add3A_549 = vector.broadcast %get3A_10 : vector<1x128xf32> to vector<128x128xf32>
    %add3A_550 = arith.addf %dot_general3A_548, %add3A_549 : vector<128x128xf32>
    %swap3A_551 = arith.constant 0 : index
    %swap3A_552 = arith.constant 49 : index
    %swap3A_553 = arith.constant 0 : index
    %swap3A_554 = vector.load %arg12[%swap3A_551, %swap3A_552, %swap3A_553] : memref<128x64x128xf32, #tpu.memory_space<vmem>>, vector<128x1x128xf32>
    %swap3A_555 = vector.shape_cast %swap3A_554 : vector<128x1x128xf32> to vector<128x128xf32>
    %swap3A_556 = vector.shape_cast %add3A_550 : vector<128x128xf32> to vector<128x1x128xf32>
    tpu.vector_store %arg12[%swap3A_551, %swap3A_552, %swap3A_553], %swap3A_556 {strides = array<i32>} : memref<128x64x128xf32, #tpu.memory_space<vmem>>, vector<128x1x128xf32>,
    %slice3A_557 = vector.extract_strided_slice %transpose3A {offsets = [0, 1000], sizes = [128, 20], strides = [1, 1]} : vector<128x1280xf32> to vector<128x20xf32>
    %dot_general3A_558 = arith.constant dense<0.000000e+00> : vector<128x128xf32>
    %dot_general3A_559 = tpu.matmul %slice3A_557, %get3A_7, %dot_general3A_558 {dimension_numbers = #tpu.dot_dimension_numbers<[1], [0], [0], [1], [0, 0, 1, 1], [], []>, transpose_lhs_hint = false} : vector<128x20xf32>, vector<20x128xf32>, vector<128x128xf32> -> vector<128x128xf32>
    %add3A_560 = vector.broadcast %get3A_10 : vector<1x128xf32> to vector<128x128xf32>
    %add3A_561 = arith.addf %dot_general3A_559, %add3A_560 : vector<128x128xf32>
    %swap3A_562 = arith.constant 0 : index
    %swap3A_563 = arith.constant 50 : index
    %swap3A_564 = arith.constant 0 : index
    %swap3A_565 = vector.load %arg12[%swap3A_562, %swap3A_563, %swap3A_564] : memref<128x64x128xf32, #tpu.memory_space<vmem>>, vector<128x1x128xf32>
    %swap3A_566 = vector.shape_cast %swap3A_565 : vector<128x1x128xf32> to vector<128x128xf32>
    %swap3A_567 = vector.shape_cast %add3A_561 : vector<128x128xf32> to vector<128x1x128xf32>
    tpu.vector_store %arg12[%swap3A_562, %swap3A_563, %swap3A_564], %swap3A_567 {strides = array<i32>} : memref<128x64x128xf32, #tpu.memory_space<vmem>>, vector<128x1x128xf32>,
    %slice3A_568 = vector.extract_strided_slice %transpose3A {offsets = [0, 1020], sizes = [128, 20], strides = [1, 1]} : vector<128x1280xf32> to vector<128x20xf32>
    %dot_general3A_569 = arith.constant dense<0.000000e+00> : vector<128x128xf32>
    %dot_general3A_570 = tpu.matmul %slice3A_568, %get3A_7, %dot_general3A_569 {dimension_numbers = #tpu.dot_dimension_numbers<[1], [0], [0], [1], [0, 0, 1, 1], [], []>, transpose_lhs_hint = false} : vector<128x20xf32>, vector<20x128xf32>, vector<128x128xf32> -> vector<128x128xf32>
    %add3A_571 = vector.broadcast %get3A_10 : vector<1x128xf32> to vector<128x128xf32>
    %add3A_572 = arith.addf %dot_general3A_570, %add3A_571 : vector<128x128xf32>
    %swap3A_573 = arith.constant 0 : index
    %swap3A_574 = arith.constant 51 : index
    %swap3A_575 = arith.constant 0 : index
    %swap3A_576 = vector.load %arg12[%swap3A_573, %swap3A_574, %swap3A_575] : memref<128x64x128xf32, #tpu.memory_space<vmem>>, vector<128x1x128xf32>
    %swap3A_577 = vector.shape_cast %swap3A_576 : vector<128x1x128xf32> to vector<128x128xf32>
    %swap3A_578 = vector.shape_cast %add3A_572 : vector<128x128xf32> to vector<128x1x128xf32>
    tpu.vector_store %arg12[%swap3A_573, %swap3A_574, %swap3A_575], %swap3A_578 {strides = array<i32>} : memref<128x64x128xf32, #tpu.memory_space<vmem>>, vector<128x1x128xf32>,
    %slice3A_579 = vector.extract_strided_slice %transpose3A {offsets = [0, 1040], sizes = [128, 20], strides = [1, 1]} : vector<128x1280xf32> to vector<128x20xf32>
    %dot_general3A_580 = arith.constant dense<0.000000e+00> : vector<128x128xf32>
    %dot_general3A_581 = tpu.matmul %slice3A_579, %get3A_7, %dot_general3A_580 {dimension_numbers = #tpu.dot_dimension_numbers<[1], [0], [0], [1], [0, 0, 1, 1], [], []>, transpose_lhs_hint = false} : vector<128x20xf32>, vector<20x128xf32>, vector<128x128xf32> -> vector<128x128xf32>
    %add3A_582 = vector.broadcast %get3A_10 : vector<1x128xf32> to vector<128x128xf32>
    %add3A_583 = arith.addf %dot_general3A_581, %add3A_582 : vector<128x128xf32>
    %swap3A_584 = arith.constant 0 : index
    %swap3A_585 = arith.constant 52 : index
    %swap3A_586 = arith.constant 0 : index
    %swap3A_587 = vector.load %arg12[%swap3A_584, %swap3A_585, %swap3A_586] : memref<128x64x128xf32, #tpu.memory_space<vmem>>, vector<128x1x128xf32>
    %swap3A_588 = vector.shape_cast %swap3A_587 : vector<128x1x128xf32> to vector<128x128xf32>
    %swap3A_589 = vector.shape_cast %add3A_583 : vector<128x128xf32> to vector<128x1x128xf32>
    tpu.vector_store %arg12[%swap3A_584, %swap3A_585, %swap3A_586], %swap3A_589 {strides = array<i32>} : memref<128x64x128xf32, #tpu.memory_space<vmem>>, vector<128x1x128xf32>,
    %slice3A_590 = vector.extract_strided_slice %transpose3A {offsets = [0, 1060], sizes = [128, 20], strides = [1, 1]} : vector<128x1280xf32> to vector<128x20xf32>
    %dot_general3A_591 = arith.constant dense<0.000000e+00> : vector<128x128xf32>
    %dot_general3A_592 = tpu.matmul %slice3A_590, %get3A_7, %dot_general3A_591 {dimension_numbers = #tpu.dot_dimension_numbers<[1], [0], [0], [1], [0, 0, 1, 1], [], []>, transpose_lhs_hint = false} : vector<128x20xf32>, vector<20x128xf32>, vector<128x128xf32> -> vector<128x128xf32>
    %add3A_593 = vector.broadcast %get3A_10 : vector<1x128xf32> to vector<128x128xf32>
    %add3A_594 = arith.addf %dot_general3A_592, %add3A_593 : vector<128x128xf32>
    %swap3A_595 = arith.constant 0 : index
    %swap3A_596 = arith.constant 53 : index
    %swap3A_597 = arith.constant 0 : index
    %swap3A_598 = vector.load %arg12[%swap3A_595, %swap3A_596, %swap3A_597] : memref<128x64x128xf32, #tpu.memory_space<vmem>>, vector<128x1x128xf32>
    %swap3A_599 = vector.shape_cast %swap3A_598 : vector<128x1x128xf32> to vector<128x128xf32>
    %swap3A_600 = vector.shape_cast %add3A_594 : vector<128x128xf32> to vector<128x1x128xf32>
    tpu.vector_store %arg12[%swap3A_595, %swap3A_596, %swap3A_597], %swap3A_600 {strides = array<i32>} : memref<128x64x128xf32, #tpu.memory_space<vmem>>, vector<128x1x128xf32>,
    %slice3A_601 = vector.extract_strided_slice %transpose3A {offsets = [0, 1080], sizes = [128, 20], strides = [1, 1]} : vector<128x1280xf32> to vector<128x20xf32>
    %dot_general3A_602 = arith.constant dense<0.000000e+00> : vector<128x128xf32>
    %dot_general3A_603 = tpu.matmul %slice3A_601, %get3A_7, %dot_general3A_602 {dimension_numbers = #tpu.dot_dimension_numbers<[1], [0], [0], [1], [0, 0, 1, 1], [], []>, transpose_lhs_hint = false} : vector<128x20xf32>, vector<20x128xf32>, vector<128x128xf32> -> vector<128x128xf32>
    %add3A_604 = vector.broadcast %get3A_10 : vector<1x128xf32> to vector<128x128xf32>
    %add3A_605 = arith.addf %dot_general3A_603, %add3A_604 : vector<128x128xf32>
    %swap3A_606 = arith.constant 0 : index
    %swap3A_607 = arith.constant 54 : index
    %swap3A_608 = arith.constant 0 : index
    %swap3A_609 = vector.load %arg12[%swap3A_606, %swap3A_607, %swap3A_608] : memref<128x64x128xf32, #tpu.memory_space<vmem>>, vector<128x1x128xf32>
    %swap3A_610 = vector.shape_cast %swap3A_609 : vector<128x1x128xf32> to vector<128x128xf32>
    %swap3A_611 = vector.shape_cast %add3A_605 : vector<128x128xf32> to vector<128x1x128xf32>
    tpu.vector_store %arg12[%swap3A_606, %swap3A_607, %swap3A_608], %swap3A_611 {strides = array<i32>} : memref<128x64x128xf32, #tpu.memory_space<vmem>>, vector<128x1x128xf32>,
    %slice3A_612 = vector.extract_strided_slice %transpose3A {offsets = [0, 1100], sizes = [128, 20], strides = [1, 1]} : vector<128x1280xf32> to vector<128x20xf32>
    %dot_general3A_613 = arith.constant dense<0.000000e+00> : vector<128x128xf32>
    %dot_general3A_614 = tpu.matmul %slice3A_612, %get3A_7, %dot_general3A_613 {dimension_numbers = #tpu.dot_dimension_numbers<[1], [0], [0], [1], [0, 0, 1, 1], [], []>, transpose_lhs_hint = false} : vector<128x20xf32>, vector<20x128xf32>, vector<128x128xf32> -> vector<128x128xf32>
    %add3A_615 = vector.broadcast %get3A_10 : vector<1x128xf32> to vector<128x128xf32>
    %add3A_616 = arith.addf %dot_general3A_614, %add3A_615 : vector<128x128xf32>
    %swap3A_617 = arith.constant 0 : index
    %swap3A_618 = arith.constant 55 : index
    %swap3A_619 = arith.constant 0 : index
    %swap3A_620 = vector.load %arg12[%swap3A_617, %swap3A_618, %swap3A_619] : memref<128x64x128xf32, #tpu.memory_space<vmem>>, vector<128x1x128xf32>
    %swap3A_621 = vector.shape_cast %swap3A_620 : vector<128x1x128xf32> to vector<128x128xf32>
    %swap3A_622 = vector.shape_cast %add3A_616 : vector<128x128xf32> to vector<128x1x128xf32>
    tpu.vector_store %arg12[%swap3A_617, %swap3A_618, %swap3A_619], %swap3A_622 {strides = array<i32>} : memref<128x64x128xf32, #tpu.memory_space<vmem>>, vector<128x1x128xf32>,
    %slice3A_623 = vector.extract_strided_slice %transpose3A {offsets = [0, 1120], sizes = [128, 20], strides = [1, 1]} : vector<128x1280xf32> to vector<128x20xf32>
    %dot_general3A_624 = arith.constant dense<0.000000e+00> : vector<128x128xf32>
    %dot_general3A_625 = tpu.matmul %slice3A_623, %get3A_7, %dot_general3A_624 {dimension_numbers = #tpu.dot_dimension_numbers<[1], [0], [0], [1], [0, 0, 1, 1], [], []>, transpose_lhs_hint = false} : vector<128x20xf32>, vector<20x128xf32>, vector<128x128xf32> -> vector<128x128xf32>
    %add3A_626 = vector.broadcast %get3A_10 : vector<1x128xf32> to vector<128x128xf32>
    %add3A_627 = arith.addf %dot_general3A_625, %add3A_626 : vector<128x128xf32>
    %swap3A_628 = arith.constant 0 : index
    %swap3A_629 = arith.constant 56 : index
    %swap3A_630 = arith.constant 0 : index
    %swap3A_631 = vector.load %arg12[%swap3A_628, %swap3A_629, %swap3A_630] : memref<128x64x128xf32, #tpu.memory_space<vmem>>, vector<128x1x128xf32>
    %swap3A_632 = vector.shape_cast %swap3A_631 : vector<128x1x128xf32> to vector<128x128xf32>
    %swap3A_633 = vector.shape_cast %add3A_627 : vector<128x128xf32> to vector<128x1x128xf32>
    tpu.vector_store %arg12[%swap3A_628, %swap3A_629, %swap3A_630], %swap3A_633 {strides = array<i32>} : memref<128x64x128xf32, #tpu.memory_space<vmem>>, vector<128x1x128xf32>,
    %slice3A_634 = vector.extract_strided_slice %transpose3A {offsets = [0, 1140], sizes = [128, 20], strides = [1, 1]} : vector<128x1280xf32> to vector<128x20xf32>
    %dot_general3A_635 = arith.constant dense<0.000000e+00> : vector<128x128xf32>
    %dot_general3A_636 = tpu.matmul %slice3A_634, %get3A_7, %dot_general3A_635 {dimension_numbers = #tpu.dot_dimension_numbers<[1], [0], [0], [1], [0, 0, 1, 1], [], []>, transpose_lhs_hint = false} : vector<128x20xf32>, vector<20x128xf32>, vector<128x128xf32> -> vector<128x128xf32>
    %add3A_637 = vector.broadcast %get3A_10 : vector<1x128xf32> to vector<128x128xf32>
    %add3A_638 = arith.addf %dot_general3A_636, %add3A_637 : vector<128x128xf32>
    %swap3A_639 = arith.constant 0 : index
    %swap3A_640 = arith.constant 57 : index
    %swap3A_641 = arith.constant 0 : index
    %swap3A_642 = vector.load %arg12[%swap3A_639, %swap3A_640, %swap3A_641] : memref<128x64x128xf32, #tpu.memory_space<vmem>>, vector<128x1x128xf32>
    %swap3A_643 = vector.shape_cast %swap3A_642 : vector<128x1x128xf32> to vector<128x128xf32>
    %swap3A_644 = vector.shape_cast %add3A_638 : vector<128x128xf32> to vector<128x1x128xf32>
    tpu.vector_store %arg12[%swap3A_639, %swap3A_640, %swap3A_641], %swap3A_644 {strides = array<i32>} : memref<128x64x128xf32, #tpu.memory_space<vmem>>, vector<128x1x128xf32>,
    %slice3A_645 = vector.extract_strided_slice %transpose3A {offsets = [0, 1160], sizes = [128, 20], strides = [1, 1]} : vector<128x1280xf32> to vector<128x20xf32>
    %dot_general3A_646 = arith.constant dense<0.000000e+00> : vector<128x128xf32>
    %dot_general3A_647 = tpu.matmul %slice3A_645, %get3A_7, %dot_general3A_646 {dimension_numbers = #tpu.dot_dimension_numbers<[1], [0], [0], [1], [0, 0, 1, 1], [], []>, transpose_lhs_hint = false} : vector<128x20xf32>, vector<20x128xf32>, vector<128x128xf32> -> vector<128x128xf32>
    %add3A_648 = vector.broadcast %get3A_10 : vector<1x128xf32> to vector<128x128xf32>
    %add3A_649 = arith.addf %dot_general3A_647, %add3A_648 : vector<128x128xf32>
    %swap3A_650 = arith.constant 0 : index
    %swap3A_651 = arith.constant 58 : index
    %swap3A_652 = arith.constant 0 : index
    %swap3A_653 = vector.load %arg12[%swap3A_650, %swap3A_651, %swap3A_652] : memref<128x64x128xf32, #tpu.memory_space<vmem>>, vector<128x1x128xf32>
    %swap3A_654 = vector.shape_cast %swap3A_653 : vector<128x1x128xf32> to vector<128x128xf32>
    %swap3A_655 = vector.shape_cast %add3A_649 : vector<128x128xf32> to vector<128x1x128xf32>
    tpu.vector_store %arg12[%swap3A_650, %swap3A_651, %swap3A_652], %swap3A_655 {strides = array<i32>} : memref<128x64x128xf32, #tpu.memory_space<vmem>>, vector<128x1x128xf32>,
    %slice3A_656 = vector.extract_strided_slice %transpose3A {offsets = [0, 1180], sizes = [128, 20], strides = [1, 1]} : vector<128x1280xf32> to vector<128x20xf32>
    %dot_general3A_657 = arith.constant dense<0.000000e+00> : vector<128x128xf32>
    %dot_general3A_658 = tpu.matmul %slice3A_656, %get3A_7, %dot_general3A_657 {dimension_numbers = #tpu.dot_dimension_numbers<[1], [0], [0], [1], [0, 0, 1, 1], [], []>, transpose_lhs_hint = false} : vector<128x20xf32>, vector<20x128xf32>, vector<128x128xf32> -> vector<128x128xf32>
    %add3A_659 = vector.broadcast %get3A_10 : vector<1x128xf32> to vector<128x128xf32>
    %add3A_660 = arith.addf %dot_general3A_658, %add3A_659 : vector<128x128xf32>
    %swap3A_661 = arith.constant 0 : index
    %swap3A_662 = arith.constant 59 : index
    %swap3A_663 = arith.constant 0 : index
    %swap3A_664 = vector.load %arg12[%swap3A_661, %swap3A_662, %swap3A_663] : memref<128x64x128xf32, #tpu.memory_space<vmem>>, vector<128x1x128xf32>
    %swap3A_665 = vector.shape_cast %swap3A_664 : vector<128x1x128xf32> to vector<128x128xf32>
    %swap3A_666 = vector.shape_cast %add3A_660 : vector<128x128xf32> to vector<128x1x128xf32>
    tpu.vector_store %arg12[%swap3A_661, %swap3A_662, %swap3A_663], %swap3A_666 {strides = array<i32>} : memref<128x64x128xf32, #tpu.memory_space<vmem>>, vector<128x1x128xf32>,
    %slice3A_667 = vector.extract_strided_slice %transpose3A {offsets = [0, 1200], sizes = [128, 20], strides = [1, 1]} : vector<128x1280xf32> to vector<128x20xf32>
    %dot_general3A_668 = arith.constant dense<0.000000e+00> : vector<128x128xf32>
    %dot_general3A_669 = tpu.matmul %slice3A_667, %get3A_7, %dot_general3A_668 {dimension_numbers = #tpu.dot_dimension_numbers<[1], [0], [0], [1], [0, 0, 1, 1], [], []>, transpose_lhs_hint = false} : vector<128x20xf32>, vector<20x128xf32>, vector<128x128xf32> -> vector<128x128xf32>
    %add3A_670 = vector.broadcast %get3A_10 : vector<1x128xf32> to vector<128x128xf32>
    %add3A_671 = arith.addf %dot_general3A_669, %add3A_670 : vector<128x128xf32>
    %swap3A_672 = arith.constant 0 : index
    %swap3A_673 = arith.constant 60 : index
    %swap3A_674 = arith.constant 0 : index
    %swap3A_675 = vector.load %arg12[%swap3A_672, %swap3A_673, %swap3A_674] : memref<128x64x128xf32, #tpu.memory_space<vmem>>, vector<128x1x128xf32>
    %swap3A_676 = vector.shape_cast %swap3A_675 : vector<128x1x128xf32> to vector<128x128xf32>
    %swap3A_677 = vector.shape_cast %add3A_671 : vector<128x128xf32> to vector<128x1x128xf32>
    tpu.vector_store %arg12[%swap3A_672, %swap3A_673, %swap3A_674], %swap3A_677 {strides = array<i32>} : memref<128x64x128xf32, #tpu.memory_space<vmem>>, vector<128x1x128xf32>,
    %slice3A_678 = vector.extract_strided_slice %transpose3A {offsets = [0, 1220], sizes = [128, 20], strides = [1, 1]} : vector<128x1280xf32> to vector<128x20xf32>
    %dot_general3A_679 = arith.constant dense<0.000000e+00> : vector<128x128xf32>
    %dot_general3A_680 = tpu.matmul %slice3A_678, %get3A_7, %dot_general3A_679 {dimension_numbers = #tpu.dot_dimension_numbers<[1], [0], [0], [1], [0, 0, 1, 1], [], []>, transpose_lhs_hint = false} : vector<128x20xf32>, vector<20x128xf32>, vector<128x128xf32> -> vector<128x128xf32>
    %add3A_681 = vector.broadcast %get3A_10 : vector<1x128xf32> to vector<128x128xf32>
    %add3A_682 = arith.addf %dot_general3A_680, %add3A_681 : vector<128x128xf32>
    %swap3A_683 = arith.constant 0 : index
    %swap3A_684 = arith.constant 61 : index
    %swap3A_685 = arith.constant 0 : index
    %swap3A_686 = vector.load %arg12[%swap3A_683, %swap3A_684, %swap3A_685] : memref<128x64x128xf32, #tpu.memory_space<vmem>>, vector<128x1x128xf32>
    %swap3A_687 = vector.shape_cast %swap3A_686 : vector<128x1x128xf32> to vector<128x128xf32>
    %swap3A_688 = vector.shape_cast %add3A_682 : vector<128x128xf32> to vector<128x1x128xf32>
    tpu.vector_store %arg12[%swap3A_683, %swap3A_684, %swap3A_685], %swap3A_688 {strides = array<i32>} : memref<128x64x128xf32, #tpu.memory_space<vmem>>, vector<128x1x128xf32>,
    %slice3A_689 = vector.extract_strided_slice %transpose3A {offsets = [0, 1240], sizes = [128, 20], strides = [1, 1]} : vector<128x1280xf32> to vector<128x20xf32>
    %dot_general3A_690 = arith.constant dense<0.000000e+00> : vector<128x128xf32>
    %dot_general3A_691 = tpu.matmul %slice3A_689, %get3A_7, %dot_general3A_690 {dimension_numbers = #tpu.dot_dimension_numbers<[1], [0], [0], [1], [0, 0, 1, 1], [], []>, transpose_lhs_hint = false} : vector<128x20xf32>, vector<20x128xf32>, vector<128x128xf32> -> vector<128x128xf32>
    %add3A_692 = vector.broadcast %get3A_10 : vector<1x128xf32> to vector<128x128xf32>
    %add3A_693 = arith.addf %dot_general3A_691, %add3A_692 : vector<128x128xf32>
    %swap3A_694 = arith.constant 0 : index
    %swap3A_695 = arith.constant 62 : index
    %swap3A_696 = arith.constant 0 : index
    %swap3A_697 = vector.load %arg12[%swap3A_694, %swap3A_695, %swap3A_696] : memref<128x64x128xf32, #tpu.memory_space<vmem>>, vector<128x1x128xf32>
    %swap3A_698 = vector.shape_cast %swap3A_697 : vector<128x1x128xf32> to vector<128x128xf32>
    %swap3A_699 = vector.shape_cast %add3A_693 : vector<128x128xf32> to vector<128x1x128xf32>
    tpu.vector_store %arg12[%swap3A_694, %swap3A_695, %swap3A_696], %swap3A_699 {strides = array<i32>} : memref<128x64x128xf32, #tpu.memory_space<vmem>>, vector<128x1x128xf32>,
    %slice3A_700 = vector.extract_strided_slice %transpose3A {offsets = [0, 1260], sizes = [128, 20], strides = [1, 1]} : vector<128x1280xf32> to vector<128x20xf32>
    %dot_general3A_701 = arith.constant dense<0.000000e+00> : vector<128x128xf32>
    %dot_general3A_702 = tpu.matmul %slice3A_700, %get3A_7, %dot_general3A_701 {dimension_numbers = #tpu.dot_dimension_numbers<[1], [0], [0], [1], [0, 0, 1, 1], [], []>, transpose_lhs_hint = false} : vector<128x20xf32>, vector<20x128xf32>, vector<128x128xf32> -> vector<128x128xf32>
    %add3A_703 = vector.broadcast %get3A_10 : vector<1x128xf32> to vector<128x128xf32>
    %add3A_704 = arith.addf %dot_general3A_702, %add3A_703 : vector<128x128xf32>
    %swap3A_705 = arith.constant 0 : index
    %swap3A_706 = arith.constant 63 : index
    %swap3A_707 = arith.constant 0 : index
    %swap3A_708 = vector.load %arg12[%swap3A_705, %swap3A_706, %swap3A_707] : memref<128x64x128xf32, #tpu.memory_space<vmem>>, vector<128x1x128xf32>
    %swap3A_709 = vector.shape_cast %swap3A_708 : vector<128x1x128xf32> to vector<128x128xf32>
    %swap3A_710 = vector.shape_cast %add3A_704 : vector<128x128xf32> to vector<128x1x128xf32>
    tpu.vector_store %arg12[%swap3A_705, %swap3A_706, %swap3A_707], %swap3A_710 {strides = array<i32>} : memref<128x64x128xf32, #tpu.memory_space<vmem>>, vector<128x1x128xf32>,
    %get3A_711 = arith.constant 0 : index
    %get3A_712 = arith.constant 0 : index
    %get3A_713 = arith.constant 0 : index
    %get3A_714 = vector.load %arg12[%get3A_711, %get3A_712, %get3A_713] : memref<128x64x128xf32, #tpu.memory_space<vmem>>, vector<128x64x128xf32>
    %reshape3A_715 = vector.shape_cast %get3A_714 : vector<128x64x128xf32> to vector<8192x128xf32>
    %get3A_716 = arith.constant 0 : index
    %get3A_717 = arith.constant 0 : index
    %get3A_718 = arith.constant 0 : index
    %get3A_719 = vector.load %arg4[%get3A_716, %get3A_717, %get3A_718] : memref<1x64x128xf32, #tpu.memory_space<vmem>>, vector<1x64x128xf32>
    %get3A_720 = vector.shape_cast %get3A_719 : vector<1x64x128xf32> to vector<64x128xf32>
    %mul3A = arith.constant 2.000000e-01 : f32
    %mul3A_721 = vector.broadcast %mul3A : f32 to vector<64x128xf32>
    %mul3A_722 = arith.mulf %get3A_720, %mul3A_721 : vector<64x128xf32>
    %mul3A_723 = arith.mulf %mul3A_722, %mul3A_722 : vector<64x128xf32>
    %mul3A_724 = arith.mulf %mul3A_723, %mul3A_723 : vector<64x128xf32>
    %mul3A_725 = arith.mulf %mul3A_724, %mul3A_724 : vector<64x128xf32>
    %mul3A_726 = arith.mulf %mul3A_725, %mul3A_722 : vector<64x128xf32>
    %mul3A_727 = arith.constant 4.500000e+01 : f32
    %mul3A_728 = vector.broadcast %mul3A_727 : f32 to vector<64x128xf32>
    %mul3A_729 = arith.mulf %mul3A_728, %mul3A_722 : vector<64x128xf32>
    %sub3A = arith.constant 9.900000e+01 : f32
    %sub3A_730 = vector.broadcast %sub3A : f32 to vector<64x128xf32>
    %sub3A_731 = arith.subf %sub3A_730, %mul3A_729 : vector<64x128xf32>
    %mul3A_732 = arith.mulf %mul3A_722, %sub3A_731 : vector<64x128xf32>
    %add3A_733 = arith.constant -5.500000e+01 : f32
    %add3A_734 = vector.broadcast %add3A_733 : f32 to vector<64x128xf32>
    %add3A_735 = arith.addf %add3A_734, %mul3A_732 : vector<64x128xf32>
    %mul3A_736 = arith.mulf %mul3A_726, %add3A_735 : vector<64x128xf32>
    %add3A_737 = arith.constant 1.000000e+00 : f32
    %add3A_738 = vector.broadcast %add3A_737 : f32 to vector<64x128xf32>
    %add3A_739 = arith.addf %add3A_738, %mul3A_736 : vector<64x128xf32>
    %lt3A = arith.constant 5.000000e+00 : f32
    %lt3A_740 = vector.broadcast %lt3A : f32 to vector<64x128xf32>
    %lt3A_741 = arith.cmpf olt, %get3A_720, %lt3A_740 : vector<64x128xf32>
    %jit3A = arith.constant 0.000000e+00 : f32
    %broadcast_in_dim3A = vector.broadcast %jit3A : f32 to vector<64x128xf32>
    %select_n3A = arith.select %lt3A_741, %add3A_739, %broadcast_in_dim3A : vector<64x128xi1>, vector<64x128xf32>
    %get3A_742 = arith.constant 0 : index
    %get3A_743 = arith.constant 0 : index
    %get3A_744 = arith.constant 0 : index
    %get3A_745 = vector.load %arg5[%get3A_742, %get3A_743, %get3A_744] : memref<1x64x128xf32, #tpu.memory_space<vmem>>, vector<1x64x128xf32>
    %get3A_746 = vector.shape_cast %get3A_745 : vector<1x64x128xf32> to vector<64x128xf32>
    %mul3A_747 = arith.mulf %select_n3A, %get3A_746 : vector<64x128xf32>
    %transpose3A_748 = tpu.transpose %mul3A_747, [1, 0] : vector<64x128xf32> -> vector<128x64xf32>
    %broadcast_in_dim3A_749 = vector.shape_cast %transpose3A_748 : vector<128x64xf32> to vector<128x1x64xf32>
    %broadcast_in_dim3A_750 = vector.shape_cast %broadcast_in_dim3A_749 : vector<128x1x64xf32> to vector<128x1x64xf32>
    %broadcast_in_dim3A_751 = vector.broadcast %broadcast_in_dim3A_750 : vector<128x1x64xf32> to vector<128x64x64xf32>
    %reshape3A_752 = vector.shape_cast %broadcast_in_dim3A_751 : vector<128x64x64xf32> to vector<8192x64xf32>
    %iota3A = tpu.iota {dimensions = array<i32: 1>} : vector<8192x64xi32>
    %iota3A_753 = tpu.iota {dimensions = array<i32: 0>} : vector<8192x64xi32>
    %jit3A_754 = arith.constant 64 : i32
    %eq3A = arith.constant 0 : i32
    %eq3A_755 = arith.cmpi eq, %jit3A_754, %eq3A : i32
    %jit3A_756 = arith.constant 1 : i32
    %select_n3A_757 = arith.select %eq3A_755, %jit3A_756, %jit3A_754 : i32
    %rem3A = vector.broadcast %select_n3A_757 : i32 to vector<8192x64xi32>
    %rem3A_758 = arith.remsi %iota3A_753, %rem3A : vector<8192x64xi32>
    %ne3A = arith.constant 0 : i32
    %ne3A_759 = vector.broadcast %ne3A : i32 to vector<8192x64xi32>
    %ne3A_760 = arith.cmpi ne, %rem3A_758, %ne3A_759 : vector<8192x64xi32>
    %lt3A_761 = arith.constant 0 : i32
    %lt3A_762 = vector.broadcast %lt3A_761 : i32 to vector<8192x64xi32>
    %lt3A_763 = arith.cmpi slt, %rem3A_758, %lt3A_762 : vector<8192x64xi32>
    %lt3A_764 = arith.constant 0 : i32
    %lt3A_765 = arith.cmpi slt, %select_n3A_757, %lt3A_764 : i32
    %ne3A_766 = vector.broadcast %lt3A_765 : i1 to vector<8192x64xi1>
    %ne3A_767 = vector.broadcast %ne3A_766 : vector<8192x64xi1> to vector<8192x64xi1>
    %ne3A_768 = arith.xori %lt3A_763, %ne3A_767 : vector<8192x64xi1>
    %and3A = arith.andi %ne3A_768, %ne3A_760 : vector<8192x64xi1>
    %add3A_769 = vector.broadcast %select_n3A_757 : i32 to vector<8192x64xi32>
    %add3A_770 = arith.addi %rem3A_758, %add3A_769 : vector<8192x64xi32>
    %select_n3A_771 = arith.select %and3A, %add3A_770, %rem3A_758 : vector<8192x64xi1>, vector<8192x64xi32>
    %eq3A_772 = arith.cmpi eq, %iota3A, %select_n3A_771 : vector<8192x64xi32>
    %jit3A_773 = arith.constant 0.000000e+00 : f32
    %broadcast_in_dim3A_774 = vector.broadcast %jit3A_773 : f32 to vector<8192x64xf32>
    %select_n3A_775 = arith.select %eq3A_772, %reshape3A_752, %broadcast_in_dim3A_774 : vector<8192x64xi1>, vector<8192x64xf32>
    %broadcast_in_dim3A_776 = arith.constant 1.000000e+00 : f32
    %broadcast_in_dim3A_777 = vector.broadcast %broadcast_in_dim3A_776 : f32 to vector<64x128xf32>
    %dot_general3A_778 = arith.constant dense<0.000000e+00> : vector<8192x128xf32>
    %dot_general3A_779 = tpu.matmul %select_n3A_775, %broadcast_in_dim3A_777, %dot_general3A_778 {dimension_numbers = #tpu.dot_dimension_numbers<[1], [0], [0], [1], [0, 0, 1, 1], [], []>, transpose_lhs_hint = false} : vector<8192x64xf32>, vector<64x128xf32>, vector<8192x128xf32> -> vector<8192x128xf32>
    %get3A_780 = arith.constant 0 : index
    %get3A_781 = arith.constant 0 : index
    %get3A_782 = vector.load %arg7[%get3A_780, %get3A_781] : memref<128x128xf32, #tpu.memory_space<vmem>>, vector<128x128xf32>
    %broadcast_in_dim3A_783 = vector.shape_cast %get3A_782 : vector<128x128xf32> to vector<128x1x128xf32>
    %broadcast_in_dim3A_784 = vector.shape_cast %broadcast_in_dim3A_783 : vector<128x1x128xf32> to vector<128x1x128xf32>
    %broadcast_in_dim3A_785 = vector.broadcast %broadcast_in_dim3A_784 : vector<128x1x128xf32> to vector<128x64x128xf32>
    %reshape3A_786 = vector.shape_cast %broadcast_in_dim3A_785 : vector<128x64x128xf32> to vector<8192x128xf32>
    %get3A_787 = arith.constant 0 : index
    %get3A_788 = arith.constant 0 : index
    %get3A_789 = vector.load %arg2[%get3A_787, %get3A_788] : memref<8192x128xf32, #tpu.memory_space<vmem>>, vector<8192x128xf32>
    %mul3A_790 = arith.mulf %reshape3A_786, %get3A_789 : vector<8192x128xf32>
    %mul3A_791 = arith.mulf %mul3A_790, %reshape3A_715 : vector<8192x128xf32>
    %mul3A_792 = arith.mulf %mul3A_791, %dot_general3A_779 : vector<8192x128xf32>
    %get3A_793 = arith.constant 0 : index
    %get3A_794 = arith.constant 0 : index
    %get3A_795 = vector.load %arg1[%get3A_793, %get3A_794] : memref<8192x128xf32, #tpu.memory_space<vmem>>, vector<8192x128xf32>
    %add3A_796 = arith.addf %get3A_795, %mul3A_792 : vector<8192x128xf32>
    %swap3A_797 = arith.constant 0 : index
    %swap3A_798 = arith.constant 0 : index
    %swap3A_799 = vector.load %arg11[%swap3A_797, %swap3A_798] : memref<8192x128xf32, #tpu.memory_space<vmem>>, vector<8192x128xf32>
    tpu.vector_store %arg11[%swap3A_797, %swap3A_798], %add3A_796 {strides = array<i32>} : memref<8192x128xf32, #tpu.memory_space<vmem>>, vector<8192x128xf32>,
    %get3A_800 = arith.constant 0 : index
    %get3A_801 = arith.constant 0 : index
    %get3A_802 = vector.load %arg6[%get3A_800, %get3A_801] : memref<128x128xf32, #tpu.memory_space<vmem>>, vector<128x128xf32>
    %reshape3A_803 = vector.shape_cast %mul3A_792 : vector<8192x128xf32> to vector<128x64x128xf32>
    %reduce_sum3A = arith.constant dense<0.000000e+00> : vector<128x128xf32>
    %reduce_sum3A_804 = vector.multi_reduction <add>, %reshape3A_803, %reduce_sum3A [1] : vector<128x64x128xf32> to vector<128x128xf32>
    %add3A_805 = arith.addf %get3A_802, %reduce_sum3A_804 : vector<128x128xf32>
    %swap3A_806 = arith.constant 0 : index
    %swap3A_807 = arith.constant 0 : index
    %swap3A_808 = vector.load %arg10[%swap3A_806, %swap3A_807] : memref<128x128xf32, #tpu.memory_space<vmem>>, vector<128x128xf32>
    tpu.vector_store %arg10[%swap3A_806, %swap3A_807], %add3A_805 {strides = array<i32>} : memref<128x128xf32, #tpu.memory_space<vmem>>, vector<128x128xf32>,
    return
  }
  func.func @transform_0(%arg0: i32) -> (i32, i32) {
    %add3A = arith.constant 0 : i32
    %add3A_0 = arith.addi %add3A, %arg0 : i32
    %c0_i32 = arith.constant 0 : i32
    %c0_i32_1 = arith.constant 0 : i32
    return %add3A_0, %c0_i32 : i32, i32
  }
  func.func @transform_1(%arg0: i32) -> (i32, i32) {
    %c0_i32 = arith.constant 0 : i32
    %c0_i32_0 = arith.constant 0 : i32
    return %arg0, %c0_i32 : i32, i32
  }
  func.func @transform_2(%arg0: i32) -> (i32, i32, i32, i32) {
    %jit3A = arith.constant 4 : i32
    %div3A = arith.divsi %arg0, %jit3A : i32
    %sign3A = arith.constant 0 : i32
    %sign3A_0 = arith.cmpi sgt, %arg0, %sign3A : i32
    %sign3A_1 = arith.extui %sign3A_0 : i1 to i32
    %sign3A_2 = arith.constant 0 : i32
    %sign3A_3 = arith.cmpi slt, %arg0, %sign3A_2 : i32
    %sign3A_4 = arith.extui %sign3A_3 : i1 to i32
    %sign3A_5 = arith.subi %sign3A_1, %sign3A_4 : i32
    %sign3A_6 = arith.constant 0 : i32
    %sign3A_7 = arith.cmpi sgt, %jit3A, %sign3A_6 : i32
    %sign3A_8 = arith.extui %sign3A_7 : i1 to i32
    %sign3A_9 = arith.constant 0 : i32
    %sign3A_10 = arith.cmpi slt, %jit3A, %sign3A_9 : i32
    %sign3A_11 = arith.extui %sign3A_10 : i1 to i32
    %sign3A_12 = arith.subi %sign3A_8, %sign3A_11 : i32
    %ne3A = arith.cmpi ne, %sign3A_5, %sign3A_12 : i32
    %rem3A = arith.remsi %arg0, %jit3A : i32
    %ne3A_13 = arith.constant 0 : i32
    %ne3A_14 = arith.cmpi ne, %rem3A, %ne3A_13 : i32
    %and3A = arith.andi %ne3A, %ne3A_14 : i1
    %sub3A = arith.constant 1 : i32
    %sub3A_15 = arith.subi %div3A, %sub3A : i32
    %select_n3A = arith.select %and3A, %sub3A_15, %div3A : i32
    %add3A = arith.constant 0 : i32
    %add3A_16 = arith.addi %add3A, %select_n3A : i32
    %jit3A_17 = arith.constant 4 : i32
    %eq3A = arith.constant 0 : i32
    %eq3A_18 = arith.cmpi eq, %jit3A_17, %eq3A : i32
    %jit3A_19 = arith.constant 1 : i32
    %select_n3A_20 = arith.select %eq3A_18, %jit3A_19, %jit3A_17 : i32
    %rem3A_21 = arith.remsi %arg0, %select_n3A_20 : i32
    %ne3A_22 = arith.constant 0 : i32
    %ne3A_23 = arith.cmpi ne, %rem3A_21, %ne3A_22 : i32
    %lt3A = arith.constant 0 : i32
    %lt3A_24 = arith.cmpi slt, %rem3A_21, %lt3A : i32
    %lt3A_25 = arith.constant 0 : i32
    %lt3A_26 = arith.cmpi slt, %select_n3A_20, %lt3A_25 : i32
    %ne3A_27 = arith.xori %lt3A_24, %lt3A_26 : i1
    %and3A_28 = arith.andi %ne3A_27, %ne3A_23 : i1
    %add3A_29 = arith.addi %rem3A_21, %select_n3A_20 : i32
    %select_n3A_30 = arith.select %and3A_28, %add3A_29, %rem3A_21 : i32
    %c0_i32 = arith.constant 0 : i32
    %c0_i32_31 = arith.constant 0 : i32
    %c0_i32_32 = arith.constant 0 : i32
    return %add3A_16, %c0_i32, %c0_i32_31, %select_n3A_30 : i32, i32, i32, i32
  }
  func.func @transform_3(%arg0: i32) -> (i32, i32, i32) {
    %jit3A = arith.constant 4 : i32
    %div3A = arith.divsi %arg0, %jit3A : i32
    %sign3A = arith.constant 0 : i32
    %sign3A_0 = arith.cmpi sgt, %arg0, %sign3A : i32
    %sign3A_1 = arith.extui %sign3A_0 : i1 to i32
    %sign3A_2 = arith.constant 0 : i32
    %sign3A_3 = arith.cmpi slt, %arg0, %sign3A_2 : i32
    %sign3A_4 = arith.extui %sign3A_3 : i1 to i32
    %sign3A_5 = arith.subi %sign3A_1, %sign3A_4 : i32
    %sign3A_6 = arith.constant 0 : i32
    %sign3A_7 = arith.cmpi sgt, %jit3A, %sign3A_6 : i32
    %sign3A_8 = arith.extui %sign3A_7 : i1 to i32
    %sign3A_9 = arith.constant 0 : i32
    %sign3A_10 = arith.cmpi slt, %jit3A, %sign3A_9 : i32
    %sign3A_11 = arith.extui %sign3A_10 : i1 to i32
    %sign3A_12 = arith.subi %sign3A_8, %sign3A_11 : i32
    %ne3A = arith.cmpi ne, %sign3A_5, %sign3A_12 : i32
    %rem3A = arith.remsi %arg0, %jit3A : i32
    %ne3A_13 = arith.constant 0 : i32
    %ne3A_14 = arith.cmpi ne, %rem3A, %ne3A_13 : i32
    %and3A = arith.andi %ne3A, %ne3A_14 : i1
    %sub3A = arith.constant 1 : i32
    %sub3A_15 = arith.subi %div3A, %sub3A : i32
    %select_n3A = arith.select %and3A, %sub3A_15, %div3A : i32
    %add3A = arith.constant 0 : i32
    %add3A_16 = arith.addi %add3A, %select_n3A : i32
    %jit3A_17 = arith.constant 4 : i32
    %eq3A = arith.constant 0 : i32
    %eq3A_18 = arith.cmpi eq, %jit3A_17, %eq3A : i32
    %jit3A_19 = arith.constant 1 : i32
    %select_n3A_20 = arith.select %eq3A_18, %jit3A_19, %jit3A_17 : i32
    %rem3A_21 = arith.remsi %arg0, %select_n3A_20 : i32
    %ne3A_22 = arith.constant 0 : i32
    %ne3A_23 = arith.cmpi ne, %rem3A_21, %ne3A_22 : i32
    %lt3A = arith.constant 0 : i32
    %lt3A_24 = arith.cmpi slt, %rem3A_21, %lt3A : i32
    %lt3A_25 = arith.constant 0 : i32
    %lt3A_26 = arith.cmpi slt, %select_n3A_20, %lt3A_25 : i32
    %ne3A_27 = arith.xori %lt3A_24, %lt3A_26 : i1
    %and3A_28 = arith.andi %ne3A_27, %ne3A_23 : i1
    %add3A_29 = arith.addi %rem3A_21, %select_n3A_20 : i32
    %select_n3A_30 = arith.select %and3A_28, %add3A_29, %rem3A_21 : i32
    %c0_i32 = arith.constant 0 : i32
    %c0_i32_31 = arith.constant 0 : i32
    return %add3A_16, %c0_i32, %select_n3A_30 : i32, i32, i32
  }
  func.func @transform_4(%arg0: i32) -> (i32, i32, i32) {
    %jit3A = arith.constant 4 : i32
    %div3A = arith.divsi %arg0, %jit3A : i32
    %sign3A = arith.constant 0 : i32
    %sign3A_0 = arith.cmpi sgt, %arg0, %sign3A : i32
    %sign3A_1 = arith.extui %sign3A_0 : i1 to i32
    %sign3A_2 = arith.constant 0 : i32
    %sign3A_3 = arith.cmpi slt, %arg0, %sign3A_2 : i32
    %sign3A_4 = arith.extui %sign3A_3 : i1 to i32
    %sign3A_5 = arith.subi %sign3A_1, %sign3A_4 : i32
    %sign3A_6 = arith.constant 0 : i32
    %sign3A_7 = arith.cmpi sgt, %jit3A, %sign3A_6 : i32
    %sign3A_8 = arith.extui %sign3A_7 : i1 to i32
    %sign3A_9 = arith.constant 0 : i32
    %sign3A_10 = arith.cmpi slt, %jit3A, %sign3A_9 : i32
    %sign3A_11 = arith.extui %sign3A_10 : i1 to i32
    %sign3A_12 = arith.subi %sign3A_8, %sign3A_11 : i32
    %ne3A = arith.cmpi ne, %sign3A_5, %sign3A_12 : i32
    %rem3A = arith.remsi %arg0, %jit3A : i32
    %ne3A_13 = arith.constant 0 : i32
    %ne3A_14 = arith.cmpi ne, %rem3A, %ne3A_13 : i32
    %and3A = arith.andi %ne3A, %ne3A_14 : i1
    %sub3A = arith.constant 1 : i32
    %sub3A_15 = arith.subi %div3A, %sub3A : i32
    %select_n3A = arith.select %and3A, %sub3A_15, %div3A : i32
    %add3A = arith.constant 0 : i32
    %add3A_16 = arith.addi %add3A, %select_n3A : i32
    %jit3A_17 = arith.constant 4 : i32
    %eq3A = arith.constant 0 : i32
    %eq3A_18 = arith.cmpi eq, %jit3A_17, %eq3A : i32
    %jit3A_19 = arith.constant 1 : i32
    %select_n3A_20 = arith.select %eq3A_18, %jit3A_19, %jit3A_17 : i32
    %rem3A_21 = arith.remsi %arg0, %select_n3A_20 : i32
    %ne3A_22 = arith.constant 0 : i32
    %ne3A_23 = arith.cmpi ne, %rem3A_21, %ne3A_22 : i32
    %lt3A = arith.constant 0 : i32
    %lt3A_24 = arith.cmpi slt, %rem3A_21, %lt3A : i32
    %lt3A_25 = arith.constant 0 : i32
    %lt3A_26 = arith.cmpi slt, %select_n3A_20, %lt3A_25 : i32
    %ne3A_27 = arith.xori %lt3A_24, %lt3A_26 : i1
    %and3A_28 = arith.andi %ne3A_27, %ne3A_23 : i1
    %add3A_29 = arith.addi %rem3A_21, %select_n3A_20 : i32
    %select_n3A_30 = arith.select %and3A_28, %add3A_29, %rem3A_21 : i32
    %c0_i32 = arith.constant 0 : i32
    %c0_i32_31 = arith.constant 0 : i32
    return %add3A_16, %c0_i32, %select_n3A_30 : i32, i32, i32
  }
  func.func @transform_5(%arg0: i32) -> (i32, i32) {
    %add3A = arith.constant 0 : i32
    %add3A_0 = arith.addi %add3A, %arg0 : i32
    %c0_i32 = arith.constant 0 : i32
    %c0_i32_1 = arith.constant 0 : i32
    return %add3A_0, %c0_i32 : i32, i32
  }
  func.func @transform_6(%arg0: i32) -> (i32, i32) {
    %add3A = arith.constant 0 : i32
    %add3A_0 = arith.addi %add3A, %arg0 : i32
    %c0_i32 = arith.constant 0 : i32
    %c0_i32_1 = arith.constant 0 : i32
    return %add3A_0, %c0_i32 : i32, i32
  }
  func.func @transform_7(%arg0: i32) -> (i32, i32) {
    %c0_i32 = arith.constant 0 : i32
    %c0_i32_0 = arith.constant 0 : i32
    %c0_i32_1 = arith.constant 0 : i32
    return %c0_i32, %c0_i32_0 : i32, i32
  }
  func.func @transform_8(%arg0: i32) -> (i32, i32) {
    %c0_i32 = arith.constant 0 : i32
    %c0_i32_0 = arith.constant 0 : i32
    %c0_i32_1 = arith.constant 0 : i32
    return %c0_i32, %c0_i32_0 : i32, i32
  }
  func.func @transform_9(%arg0: i32) -> (i32, i32) {
    %add3A = arith.constant 0 : i32
    %add3A_0 = arith.addi %add3A, %arg0 : i32
    %c0_i32 = arith.constant 0 : i32
    %c0_i32_1 = arith.constant 0 : i32
    return %add3A_0, %c0_i32 : i32, i32
  }
  func.func @transform_10(%arg0: i32) -> (i32, i32) {
    %add3A = arith.constant 0 : i32
    %add3A_0 = arith.addi %add3A, %arg0 : i32
    %c0_i32 = arith.constant 0 : i32
    %c0_i32_1 = arith.constant 0 : i32
    return %add3A_0, %c0_i32 : i32, i32
  }
}

</mosaic_0001>

<sc_bundles>
// kernel: kernel.5.cloned.1.call-start
scs
__scs_entry_jumppad:
0x0: {  	(pc) =	sbr.rel $0x88, $3  }
0x1: {  	(tag) =	ssettag $0x0;
	lr =	simm.s32 $0x1  }
0x2: {  	[smem:$0x3F95] =	sst lr;
	_ =	strace $0xD0000000  }
0x3: {  	_ = 	snop  }
0x4: {  	_ = 	snop  }
0x5: {  	_ = 	snop  }
0x6: {  	_ = 	snop  }
0x7: {  	_ = 	snop  }
__scs_overlays_trampoline_lowered:
0x8: {  	[smem:$0x3FA4] =	sst s0  }
0x9: {  	[smem:$0x3FA5] =	sst s1  }
0xa: {  	[smem:$0x3FA6] =	sst s2  }
0xb: {  	[smem:$0x3FA7] =	sst s3  }
0xc: {  	[smem:$0x3FA8] =	sst s4  }
0xd: {  	[smem:$0x3FA9] =	sst s5  }
0xe: {  	[smem:$0x3FAA] =	sst s6  }
0xf: {  	[smem:$0x3FAB] =	sst s7  }
0x10: {  	[smem:$0x3FAC] =	sst s8  }
0x11: {  	[smem:$0x3FAD] =	sst s9;
	s0 =	simm.s32 @!p0 $0x0  }
0x12: {  	s1 =	sld [smem:$0x3F93];
	s0 =	simm.s32 @p0 $0x1  }
0x13: {  	[smem:$0x3FAE] =	sst s0;
	s0 =	simm.s32 @!p1 $0x0  }
0x14: {  	s2 =	sld [smem:$0x3F92];
	s0 =	simm.s32 @p1 $0x1  }
0x15: {  	[smem:$0x3FAF] =	sst s0;
	s0 =	simm.s32 @!p2 $0x0  }
0x16: {  	s3 =	sld [smem:$0x3FDB];
	s0 =	simm.s32 @p2 $0x1  }
0x17: {  	s4 =	simm.s32 $0x1BF5;
	[smem:$0x3FB1] =	sst s0  }
0x18: {  	s0 =	sld [smem:$0x3F94];
	_ =	swait.ge [sflag:s4], $0x0  }
0x19: {  	s7 =	sld [smem:$0x3F95]  }
0x1a: {  	s8 =	sadd.s32 $0xFFFFE003, lr  }
0x1b: {  	s9 =	sadd.s32 $0xFFFFFEF7, lr;
	s5 =	simm.s32 $0xFFFFFFFF;
	p2 =	slt.u32 s8, $0xFFFFF086  }
0x1c: {  	p1 =	slt.u32 s9, $0xF7A;
	s5 =	simm.s32 @!p2 $0x0  }
0x1d: {  	s5 =	simm.s32 @p1 $0x1;
	p0 =	seq.s32 s7, s2  }
0x1e: {  	s7 =	smul.u32 @!p0 $0xF7A, s2;
	p2 =	seq.s32 @!p0 s5, $0x0  }
0x1f: {  	s9 =	smul.u32 $0xF7A, s1;
	s8 =	simm.s32 @!p0 $0x1BF5;
	p2 =	por !p2, p0  }
0x20: {  	[sflag:s8] =	ssyncset.s32 @!p0 $0xFFFFF086;
	s6 =	sadd.s32 @!p0 s3, s7;
	s7 =	simm.s32 @!p0 $0x108  }
0x21: {  	s3 =	sadd.s32 s3, s9;
	s6 =	sadd.s32 @!p0 $0x88, s6;
	s7 =	simm.s32 @p2 $0x1082  }
0x22: {  	[simem:s7], [sflag:s8] =	dma.local @!p0 [hbm:s6], $0xF7A  }
0x23: {  	s9 =	sor.u32 $0xD0000000, s2;
	s6 =	simm.s32 $0x108;
	_ =	swait.ge @!p0 [sflag:s8], $0x0  }
0x24: {  	s3 =	sadd.s32 $0x88, s3;
	s6 =	simm.s32 @!p1 $0x1082;
	[sflag:s4] =	ssyncset.s32 $0xFFFFF086  }
0x25: {  	[simem:s6], [sflag:s4] =	dma.local [hbm:s3], $0xF7A  }
0x26: {  	[smem:$0x3F95] =	sst s1;
	(tag) =	ssettag s2;
	_ =	strace s9  }
0x27: {  	s1 =	sld [smem:$0x3FA5]  }
0x28: {  	s2 =	sld [smem:$0x3FA6]  }
0x29: {  	s4 =	sld [smem:$0x3FA8]  }
0x2a: {  	p0 =	seq.s32 s5, $0x0;
	s5 =	sld [smem:$0x3FA9]  }
0x2b: {  	s6 =	sld [smem:$0x3FAA]  }
0x2c: {  	s7 =	sld [smem:$0x3FAB]  }
0x2d: {  	s3 =	simm.s32 $0x108;
	s8 =	sld [smem:$0x3FAC]  }
0x2e: {  	s3 =	simm.s32 @!p0 $0x1082;
	s9 =	sld [smem:$0x3FAD]  }
0x2f: {  	lr =	sadd.s32 s0, s3;
	s0 =	sld [smem:$0x3FA4]  }
0x30: {  	s3 =	sld [smem:$0x3FA7]  }
0x31: {  	[smem:$0x3FB0] =	sst s10  }
0x32: {  	s10 =	sld [smem:$0x3FAE];
	_ =	sdelay $0x3  }
0x33: {  	p0 =	seq.s32 s10, $0x1;
	s10 =	sld [smem:$0x3FB0];
	_ =	sdelay $0x3  }
0x34: {  	[smem:$0x3FB0] =	sst s10  }
0x35: {  	s10 =	sld [smem:$0x3FAF];
	_ =	sdelay $0x3  }
0x36: {  	p1 =	seq.s32 s10, $0x1;
	s10 =	sld [smem:$0x3FB0];
	_ =	sdelay $0x3  }
0x37: {  	[smem:$0x3FB0] =	sst s10  }
0x38: {  	s10 =	sld [smem:$0x3FB1]  }
0x39: {  	_ = 	snop;
	(pc) =	sbr.ind lr, $3  }
0x3a: {  	_ = 	snop  }
0x3b: {  	_ = 	snop  }
0x3c: {  	p2 =	seq.s32 s10, $0x1;
	s10 =	sld [smem:$0x3FB0]  }
0x3d: {  	_ =	shalt  }
0x3e: {  	_ =	shalt  }
0x3f: {  	_ =	shalt  }
0x40: {  	_ =	shalt  }
0x41: {  	_ =	shalt  }
0x42: {  	_ =	shalt  }
0x43: {  	_ =	shalt  }
0x44: {  	_ =	shalt  }
0x45: {  	_ =	shalt  }
0x46: {  	_ =	shalt  }
0x47: {  	_ =	shalt  }
0x48: {  	_ =	shalt  }
0x49: {  	_ =	shalt  }
0x4a: {  	_ =	shalt  }
0x4b: {  	_ =	shalt  }
0x4c: {  	_ =	shalt  }
0x4d: {  	_ =	shalt  }
0x4e: {  	_ =	shalt  }
0x4f: {  	_ =	shalt  }
0x50: {  	_ =	shalt  }
0x51: {  	_ =	shalt  }
0x52: {  	_ =	shalt  }
0x53: {  	_ =	shalt  }
0x54: {  	_ =	shalt  }
0x55: {  	_ =	shalt  }
0x56: {  	_ =	shalt  }
0x57: {  	_ =	shalt  }
0x58: {  	_ =	shalt  }
0x59: {  	_ =	shalt  }
0x5a: {  	_ =	shalt  }
0x5b: {  	_ =	shalt  }
0x5c: {  	_ =	shalt  }
0x5d: {  	_ =	shalt  }
0x5e: {  	_ =	shalt  }
0x5f: {  	_ =	shalt  }
0x60: {  	_ =	shalt  }
0x61: {  	_ =	shalt  }
0x62: {  	_ =	shalt  }
0x63: {  	_ =	shalt  }
0x64: {  	_ =	shalt  }
0x65: {  	_ =	shalt  }
0x66: {  	_ =	shalt  }
0x67: {  	_ =	shalt  }
0x68: {  	_ =	shalt  }
0x69: {  	_ =	shalt  }
0x6a: {  	_ =	shalt  }
0x6b: {  	_ =	shalt  }
0x6c: {  	_ =	shalt  }
0x6d: {  	_ =	shalt  }
0x6e: {  	_ =	shalt  }
0x6f: {  	_ =	shalt  }
0x70: {  	_ =	shalt  }
0x71: {  	_ =	shalt  }
0x72: {  	_ =	shalt  }
0x73: {  	_ =	shalt  }
0x74: {  	_ =	shalt  }
0x75: {  	_ =	shalt  }
0x76: {  	_ =	shalt  }
0x77: {  	_ =	shalt  }
0x78: {  	_ =	shalt  }
0x79: {  	_ =	shalt  }
0x7a: {  	_ =	shalt  }
0x7b: {  	_ =	shalt  }
0x7c: {  	_ =	shalt  }
0x7d: {  	_ =	shalt  }
0x7e: {  	_ =	shalt  }
0x7f: {  	_ =	shalt  }
0x80: {  	_ =	shalt  }
0x81: {  	_ =	shalt  }
0x82: {  	_ =	shalt  }
0x83: {  	_ =	shalt  }
0x84: {  	_ =	shalt  }
0x85: {  	_ =	shalt  }
0x86: {  	_ =	shalt  }
0x87: {  	_ =	shalt  }
.Lfunc_end0:
.L_simem_size_0:
called_computation_lowered:
.L_overlay_start_0:
0x88: {  	s2 =	sld [smem:$0x3FD9]  }
0x89: {  	s3 =	sld [smem:$0x3FFE];
	_ =	sdelay $0x1  }
0x8a: {  	s1 =	srdreg.scid  }
0x8b: {  	s0 =	sand.u32 $0x1, s1  }
0x8c: {  	s14 =	sshll.u32 s0, $0xA;
	s2 =	sadd.s32 s3, s2  }
0x8d: {  	s2 =	sadd.s32 s2, s14  }
0x8e: {  	[smem:$0x3FBC] =	sst s2  }
0x8f: {  	_ = 	snop  }
0x90: {  	s2 =	sld [smem:$0x3FD0];
	_ =	sdelay $0x2  }
0x91: {  	s15 =	simm.s32 $0xA;
	s4 =	simm.s32 $0x10  }
0x92: {  	[smem:s4], [sflag:s15] =	dma.local [hbm:s2], $0x1  }
0x93: {  	_ =	swait.eq [sflag:s15], $0x1  }
0x94: {  	[sflag:s15] =	ssyncset.done $0x0  }
0x95: {  	s16 =	sld [smem:$0x10];
	[sflag:s15] =	ssyncadd.s32 $0xFFFFFFFF  }
0x96: {  	s17 =	sld [smem:$0x11];
	(tm) =	ssettm $0x1  }
0x97: {  	s18 =	sld [smem:$0x3FFB];
	_ =	sdelay $0x3  }
0x98: {  	_ =	strace s18  }
0x99: {  	s4 =	sld [smem:$0x3FFC];
	_ =	sdelay $0x3  }
0x9a: {  	_ =	strace s4  }
0x9b: {  	s4 =	sld [smem:$0x3FFD];
	_ =	sdelay $0x3  }
0x9c: {  	_ =	strace s4  }
0x9d: {  	_ =	strace $0x8FFFFFFF  }
0x9e: {  	s19 =	sld [smem:$0x3FDB];
	_ =	sdelay $0x1  }
0x9f: {  	s5 =	simm.s32 $_scs_section_size  }
0xa0: {  	s6 =	simm.s32 $_size__tile_overlayer_lowered;
	s7 =	simm.s32 $_tile_overlayer_lowered  }
0xa1: {  	s22 =	simm.s32 $0x1BFF;
	s21 =	sshll.u32 s7, $0x1;
	s4 =	sadd.s32 s5, s19  }
0xa2: {  	s8 =	simm.s32 $0x0;
	s20 =	sshll.u32 s6, $0x1;
	s6 =	sadd.s32 s21, s4  }
0xa3: {  	[timem:s8], [sflag:s22] =	dma.local [hbm:s6], s20  }
0xa4: {  	_ =	swait.ge [sflag:s22], s20  }
0xa5: {  	s5 =	ssub.s32 $0x0, s20;
	[sflag:s22] =	ssyncset.done $0x0  }
0xa6: {  	[sflag:s22] =	ssyncadd.s32 s5;
	_ =	sdelay $0x1  }
0xa7: {  	s23 =	simm.s32 $0x1B8B  }
0xa8: {  	_ =	swait.ge [sflag:s23], $0x1  }
0xa9: {  	[sflag:s23] =	ssyncset.done $0x0  }
0xaa: {  	s25 =	simm.s32 $0x1B8E;
	s24 =	sld [smem:$0x3FFE];
	[sflag:s23] =	ssyncadd.s32 $0xFFFFFFFF  }
0xab: {  	s26 =	simm.s32 $execute0_lowered;
	[smem:$0x3FD2] =	sst s25  }
0xac: {  	s6 =	sshll.u32 s26, $0x1;
	_ =	strace $0x80000046;
	[dreg:$0x1] =	wrdreg $0xFFFFFFFF  }
0xad: {  	s28 =	simm.s32 $_size_execute0_lowered;
	s4 =	sadd.s32 s4, s6;
	[dreg:$0x0] =	wrdreg $0x0  }
0xae: {  	s6 =	sshll.u32 s28, $0x1;
	[dreg:$0x2] =	wrdreg s4  }
0xaf: {  	[dreg:$0x3] =	wrdreg s6  }
0xb0: {  	[dreg:$0x4] =	wrdreg $0xC0  }
0xb1: {  	_ =	task [dreg:s8], $0x5FFFF  }
0xb2: {  	[dreg:$0x1] =	wrdreg $0xFFFFFFFF  }
0xb3: {  	[dreg:$0x0] =	wrdreg $0x60  }
0xb4: {  	[dreg:$0x2] =	wrdreg s16  }
0xb5: {  	[dreg:$0x3] =	wrdreg s17  }
0xb6: {  	[dreg:$0x4] =	wrdreg s24  }
0xb7: {  	[dreg:$0x5] =	wrdreg $0x9  }
0xb8: {  	_ =	task.clear_ibuf [dreg:s8], $0x6FFFF;
	_ =	strace $0x90000046  }
0xb9: {  	s29 =	simm.s32 $0x9;
	_ =	strace $0x80000048  }
0xba: {  	_ =	swait.ge [sflag:s29], $0x1  }
0xbb: {  	[sflag:s29] =	ssyncadd.s32 $0xFFFFFFFF  }
0xbc: {  	_ =	strace $0x90000048  }
0xbd: {  	_ =	sfence  }
0xbe: {  	s30 =	sld [smem:$0x0];
	_ =	sdelay $0x2  }
0xbf: {  	s31 =	sshll.u32 s1, $0xD;
	s1 =	sshrl.u32 s1, $0x2  }
0xc0: {  	s3 =	sand.u32 $0x4000, s31;
	s1 =	sadd.s32 s1, s30  }
0xc1: {  	s0 =	sor.u32 s3, s0;
	s1 =	sshll.u32 s1, $0x11  }
0xc2: {  	s0 =	sor.u32 s1, s0  }
0xc3: {  	s0 =	sadd.s32 $0x8F2B, s0  }
0xc4: {  	[sflag:s0] =	ssyncadd.remote.s32 $0x1  }
0xc5: {  	_ =	sfence.sel $0xFFFF  }
0xc6: {  	[dreg:$0x0] =	wrdreg $0xFFFFFFFF;
	(pc) =	sbr.abs _section_cstart, $3  }
0xc7: {  	[dreg:$0x1] =	wrdreg $0xFFFFFFFF  }
0xc8: {  	_ =	task.clear_ibuf [dreg:s8], $0x2FFFF;
	_ =	strace $0x9FFFFFFF  }
0xc9: {  	(tm) =	ssettm $0x7FFFFFFF  }
tec
execute0_lowered:
.L_overlay_start_1:
0x0: {  	(tag) =	ssettag $0x1  }
0x1: {  	s1 =	rddreg [dreg:$0x0]  }
0x2: {  	s7 =	rddreg [dreg:$0x1]  }
0x3: {  	s4 =	rddreg [dreg:$0x2]  }
0x4: {  	s0 =	rddreg [dreg:$0x3]  }
0x5: {  	s3 =	simm.s32 $0x0;
	s5 =	srdreg.scid;
	s2 =	stileid.u32  }
0x6: {  	s12 =	simm.s32 $0x4100;
	s14 =	simm.s32 $0x1;
	s15 =	simm.s32 $0x0  }
0x7: {  	[smem:$0x7FF] =	sst s3;
	s5 =	sand.u32 $0x1, s5;
	s6 =	sshll.u32 s2, $0x11  }
0x8: {  	s9 =	sshll.u32 s2, $0x7;
	s28 =	sshll.u32 s2, $0xA;
	s10 =	sshll.u32 s2, $0xD  }
0x9: {  	_ =	strace $0x80000047;
	s8 =	ssub.s32 $0x2, s5;
	s6 =	sadd.s32 s6, s4  }
0xa: {  	s13 =	sand.u32 $0x600, s9;
	s29 =	sshll.u32 s5, $0x9;
	s11 =	sshll.u32 s5, $0xC  }
0xb: {  	s5 =	sshll.u32 s5, $0x10;
	s26 =	sshrl.u32 s8, $0x1;
	s4 =	sor.u32 s29, s28  }
.Ltmp0:
0xc: {  	s30 =	sor.u32 s11, s10;
	s6 =	sadd.s32 s5, s6;
	(pc) =	sbr.rel .LBB2_1-.Ltmp0, $4  }
0xd: {  	s10 =	simm.s32 $0x100;
	s11 =	simm.s32 $0x2;
	v0 =	vmov s13;
	s13 =	simm.s32 $0x5  }
0xe: {  	s8 =	ssub.s32 s8, s26;
	s4 =	sadd.s32 s7, s4;
	s9 =	sor.u32 $0x80, s30  }
0xf: {  	s6 =	sadd.s32 $0x1E00, s6;
	s5 =	smax.u32 s8, $0x1;
	s31 =	sshrl.u32 s9, $0x3  }
0x10: {  	s8 =	simm.s32 $0x3;
	s9 =	simm.s32 $0x80;
	s7 =	sadd.s32 s31, s7  }
.LBB2_8:
0x11: {  	s15 =	sadd.s32 $0x1, s15  }
0x12: {  	p0 =	sne.s32 s15, s5  }
.Ltmp1:
0x13: {  	_ = 	snop;
	(pc) =	sbr.rel @!p0 .LBB2_9-.Ltmp1, $1  }
0x14: {  	_ =	sdelay $0x3  }
.LBB2_1:
0x15: {  	[tilespmem:s3], [sflag:$0x3] =	stream.linear.gather [hbm4b:s4+s3], $0x80, $0x38;
	[tilespmem:$0x8100] =	vst v63  }
0x16: {  	_ =	swait.ge [sflag:s8], $0x80  }
0x17: {  	[sflag:s8] =	ssyncset.done $0x0  }
0x18: {  	[sflag:s8] =	ssyncadd.s32 $0xFFFFFF80  }
0x19: {  	v1 =	vld [tilespmem:$0x0]  }
0x1a: {  	v2 =	vld [tilespmem:$0x10]  }
0x1b: {  	v3 =	vld [tilespmem:$0x20]  }
0x1c: {  	v4 =	vld [tilespmem:$0x30]  }
0x1d: {  	v5 =	vld [tilespmem:$0x40]  }
0x1e: {  	v6 =	vld [tilespmem:$0x50];
	v1 =	vadd.s32 v0, v1  }
0x1f: {  	[tilespmem:$0x0] =	vst v1;
	v1 =	vadd.s32 v0, v2;
	v2 =	vld [tilespmem:$0x60]  }
0x20: {  	[tilespmem:$0x10] =	vst v1;
	v1 =	vadd.s32 v0, v3;
	v3 =	vld [tilespmem:$0x70]  }
0x21: {  	[tilespmem:$0x20] =	vst v1;
	v1 =	vadd.s32 v0, v4  }
0x22: {  	[tilespmem:$0x30] =	vst v1;
	v1 =	vadd.s32 v0, v5  }
.Ltmp2:
0x23: {  	[tilespmem:$0x40] =	vst v1;
	v1 =	vadd.s32 v0, v6;
	(pc) =	sbr.rel .LBB2_2-.Ltmp2, $4  }
0x24: {  	[tilespmem:$0x50] =	vst v1;
	v1 =	vadd.s32 v0, v2  }
0x25: {  	[tilespmem:$0x60] =	vst v1;
	v1 =	vadd.s32 v0, v3  }
0x26: {  	s16 =	smov.u32 s7;
	s17 =	smov.u32 s6;
	s18 =	simm.s32 $0x0;
	[tilespmem:$0x70] =	vst v1  }
0x27: {  	[tilespmem:s10], [sflag:$0x1] =	stream.indirect.gather [hbm4b:s1+s9], $0x80, s3, s9, $0xb8;
	[tilespmem:$0x8100] =	vst v63  }
.LBB2_4:
0x28: {  	[tilespmem:s3], [sflag:$0x5] =	stream.linear.gather [hbm4b:s16+s3], $0x80, $0x38;
	[tilespmem:$0x8100] =	vst v63  }
0x29: {  	_ =	swait.ge [sflag:s13], $0x80  }
0x2a: {  	[sflag:s13] =	ssyncset.done $0x0  }
0x2b: {  	[sflag:s13] =	ssyncadd.s32 $0xFFFFFF80  }
0x2c: {  	v1 =	vld [tilespmem:$0x0]  }
0x2d: {  	v2 =	vld [tilespmem:$0x10]  }
0x2e: {  	v3 =	vld [tilespmem:$0x20]  }
0x2f: {  	v4 =	vld [tilespmem:$0x30]  }
0x30: {  	v5 =	vld [tilespmem:$0x40]  }
0x31: {  	v6 =	vld [tilespmem:$0x50];
	v1 =	vadd.s32 v0, v1  }
0x32: {  	[tilespmem:$0x0] =	vst v1;
	v1 =	vadd.s32 v0, v2;
	v2 =	vld [tilespmem:$0x60]  }
0x33: {  	[tilespmem:$0x10] =	vst v1;
	v1 =	vadd.s32 v0, v3;
	v3 =	vld [tilespmem:$0x70]  }
0x34: {  	[tilespmem:$0x20] =	vst v1;
	v1 =	vadd.s32 v0, v4  }
0x35: {  	[tilespmem:$0x30] =	vst v1;
	v1 =	vadd.s32 v0, v5  }
0x36: {  	[tilespmem:$0x40] =	vst v1;
	v1 =	vadd.s32 v0, v6  }
0x37: {  	[tilespmem:$0x50] =	vst v1;
	v1 =	vadd.s32 v0, v2  }
0x38: {  	[tilespmem:$0x60] =	vst v1;
	v1 =	vadd.s32 v0, v3  }
0x39: {  	[tilespmem:$0x70] =	vst v1  }
0x3a: {  	[tilespmem:s10], [sflag:$0x1] =	stream.indirect.gather [hbm4b:s1+s9], $0x80, s3, s9, $0xb8;
	[tilespmem:$0x8100] =	vst v63  }
.LBB2_5:
0x3b: {  	_ =	swait.ge [sflag:s11], $0x4000  }
0x3c: {  	[sflag:s11] =	ssyncset.done $0x0  }
0x3d: {  	s19 =	simm.s32 $0x3;
	[sflag:s11] =	ssyncadd.s32 $0xFFFFC000  }
0x3e: {  	[hbm4b:s17+s3] =	stream.linear.scatter [tilespmem:s12], [sflag:$0x3], $0x4000, $0x38;
	[tilespmem:$0x8100] =	vst v63  }
.LBB2_7:
0x3f: {  	s18 =	sadd.s32 $0x1, s18  }
0x40: {  	p0 =	sne.s32 s18, $0x20  }
.Ltmp3:
0x41: {  	_ = 	snop;
	(pc) =	sbr.rel @!p0 .LBB2_8-.Ltmp3, $4  }
0x42: {  	_ = 	snop  }
0x43: {  	_ =	swait.ge [sflag:s19], $0x4000  }
0x44: {  	[sflag:s19] =	ssyncset.done $0x0  }
0x45: {  	s17 =	sadd.s32 $0x800, s17;
	s16 =	sadd.s32 $0x10, s16;
	[sflag:s19] =	ssyncadd.s32 $0xFFFFC000  }
.LBB2_2:
0x46: {  	p0 =	seq.s32 s18, $0x1F  }
.Ltmp4:
0x47: {  	_ = 	snop;
	(pc) =	sbr.rel @p0 .LBB2_5-.Ltmp4, $1  }
0x48: {  	_ =	sdelay $0x3  }
0x49: {  	s19 =	sand.u32 $0x1, s18  }
0x4a: {  	p0 =	seq.s32 s19, $0x0  }
.Ltmp5:
0x4b: {  	_ = 	snop;
	(pc) =	sbr.rel @!p0 .LBB2_4-.Ltmp5, $1  }
0x4c: {  	_ =	sdelay $0x3  }
0x4d: {  	[tilespmem:s9], [sflag:$0x5] =	stream.linear.gather [hbm4b:s16+s3], $0x80, $0x38;
	[tilespmem:$0x8100] =	vst v63  }
0x4e: {  	_ =	swait.ge [sflag:s13], $0x80  }
0x4f: {  	[sflag:s13] =	ssyncset.done $0x0  }
0x50: {  	[sflag:s13] =	ssyncadd.s32 $0xFFFFFF80  }
0x51: {  	v1 =	vld [tilespmem:$0x80]  }
0x52: {  	v2 =	vld [tilespmem:$0x90]  }
0x53: {  	v3 =	vld [tilespmem:$0xA0]  }
0x54: {  	v4 =	vld [tilespmem:$0xB0]  }
0x55: {  	v5 =	vld [tilespmem:$0xC0]  }
0x56: {  	v6 =	vld [tilespmem:$0xD0];
	v1 =	vadd.s32 v0, v1  }
0x57: {  	[tilespmem:$0x80] =	vst v1;
	v1 =	vadd.s32 v0, v2;
	v2 =	vld [tilespmem:$0xE0]  }
0x58: {  	[tilespmem:$0x90] =	vst v1;
	v1 =	vadd.s32 v0, v3;
	v3 =	vld [tilespmem:$0xF0]  }
0x59: {  	[tilespmem:$0xA0] =	vst v1;
	v1 =	vadd.s32 v0, v4  }
0x5a: {  	[tilespmem:$0xB0] =	vst v1;
	v1 =	vadd.s32 v0, v5  }
0x5b: {  	[tilespmem:$0xC0] =	vst v1;
	v1 =	vadd.s32 v0, v6  }
0x5c: {  	[tilespmem:$0xD0] =	vst v1;
	v1 =	vadd.s32 v0, v2  }
0x5d: {  	[tilespmem:$0xE0] =	vst v1;
	v1 =	vadd.s32 v0, v3  }
0x5e: {  	[tilespmem:$0xF0] =	vst v1  }
0x5f: {  	[tilespmem:s12], [sflag:$0x2] =	stream.indirect.gather [hbm4b:s1+s9], $0x80, s9, s9, $0xb8;
	[tilespmem:$0x8100] =	vst v63  }
.Ltmp6:
0x60: {  	_ = 	snop;
	(pc) =	sbr.rel .LBB2_7-.Ltmp6, $4  }
0x61: {  	_ =	swait.ge [sflag:s14], $0x4000  }
0x62: {  	[sflag:s14] =	ssyncset.done $0x0  }
0x63: {  	s19 =	simm.s32 $0x4;
	[sflag:s14] =	ssyncadd.s32 $0xFFFFC000  }
0x64: {  	[hbm4b:s17+s3] =	stream.linear.scatter [tilespmem:s10], [sflag:$0x4], $0x4000, $0x38;
	[tilespmem:$0x8100] =	vst v63  }
.LBB2_9:
0x65: {  	_ =	sfence.sel $0x180000  }
0x66: {  	[bflag:$0x0] =	sbarrier.arrive $0xFFFF  }
0x67: {  	p0 =	sne.s32 s2, $0x0;
	_ =	strace $0x90000047  }
0x68: {  	s0 =	sadd.s32 @!p0 $0x100000, s0;
	[bflag:$0x2] =	sbarrier.arrive $0xFFFF  }
0x69: {  	[sflag:s0] =	ssyncadd.tile.s32 @!p0 $0x1;
	_ =	shalt  }
.Lfunc_end2:
_tile_overlayer_lowered:
.L_overlay_start_2:
0x6a: {  	(tag) =	ssettag $0x2  }
0x6b: {  	s0 =	rddreg [dreg:$0x0];
	s2 =	stileid.u32  }
0x6c: {  	s1 =	rddreg [dreg:$0x1];
	p0 =	sne.s32 s2, $0x0  }
0x6d: {  	s3 =	rddreg [dreg:$0x2];
	[bflag:$0x3] =	sbarrier.arrive $0xFFFF;
	s2 =	simm.s32 @!p0 $0x1C03  }
0x6e: {  	[timem:s3], [sflag:s2] =	dma.local @!p0 [hbm:s0], s1  }
0x6f: {  	s0 =	simm.s32 @!p0 $0x3  }
0x70: {  	_ =	swait.ge @!p0 [sflag:s0], s1  }
0x71: {  	s1 =	ssub.s32 @!p0 $0x0, s1;
	[sflag:s0] =	ssyncset.done @!p0 $0x0  }
0x72: {  	[sflag:s0] =	ssyncadd.s32 @!p0 s1  }
0x73: {  	[bflag:$0x3] =	sbarrier.arrive $0xFFFF  }
0x74: {  	_ =	shalt  }

</sc_bundles>
